<compile_context>
chip_gen: v7x
topology: tpu7x:2x2x1
jax: 0.10.2.dev20260603
libtpu: 0.0.44.dev20260713+nightly
codegen_flags: <defaults>
</compile_context>

<pallas_src>
import functools

import numpy as np
import jax
import jax.numpy as jnp
from jax import lax
from jax.experimental import pallas as pl
from jax.experimental.pallas import tpu as pltpu
from jax.experimental.pallas import tpu_sc as plsc

EMBED = 32
HEADS = 4
DIM = 128
PS = 5
PS2 = PS * PS
KNN = 10
STRIDE = 4
PADW = 2
T = 2
H = 64
W = 64
N = T * H * W
NG = 16
Q = T * NG * NG
HP = H + 2 * PADW
VROWS = HEADS * T * HP * HP
ITEMS = HEADS * Q
QB = 128
NQB = Q // QB
NC, NS = 2, 16
NW = NC * NS
PER_W = ITEMS // NW
IDXW = 256

_OFF = (np.arange(PS)[:, None] * HP + np.arange(PS)[None, :]).reshape(-1)
_S256 = np.zeros((KNN, IDXW), np.float32)
for _k in range(KNN):
    _S256[_k, _k * PS2:(_k + 1) * PS2] = 1.0
_OFFROW = np.zeros((1, IDXW), np.float32)
_OFFROW[0, :KNN * PS2] = np.tile(_OFF.astype(np.float32), KNN)
_E160 = np.zeros((KNN, KNN * 16), np.float32)
for _k in range(KNN):
    _E160[_k, _k * 16:(_k + 1) * 16] = 1.0

_c1 = np.zeros(HP, np.float32)
for _m in range(NG):
    for _oi in range(PS):
        _c1[_m * STRIDE + _oi] += 1.0
_c1 = _c1[PADW:PADW + H]
_CNT = _c1[:, None] * _c1[None, :]
_CINV = (1.0 / np.maximum(_CNT, 1.0)).astype(np.float32)
_CMASK = (_CNT > 0).astype(np.float32)


def _proj_body(x_ref, wk_ref, bk_ref, wv_ref, bv_ref, k_ref, v_ref):
    xb = x_ref[...]
    dn = (((1,), (1,)), ((), ()))
    k_ref[...] = lax.dot_general(xb, wk_ref[...], dn,
                                 preferred_element_type=jnp.float32) + bk_ref[...]
    v_ref[...] = lax.dot_general(xb, wv_ref[...], dn,
                                 preferred_element_type=jnp.float32) + bv_ref[...]


def _run_proj(x, Wk, bk, Wv, bv):
    nblk = N // 512
    return pl.pallas_call(
        _proj_body,
        grid=(nblk,),
        in_specs=[
            pl.BlockSpec((512, DIM), lambda i: (i, 0)),
            pl.BlockSpec((DIM, DIM), lambda i: (0, 0)),
            pl.BlockSpec((1, DIM), lambda i: (0, 0)),
            pl.BlockSpec((DIM, DIM), lambda i: (0, 0)),
            pl.BlockSpec((1, DIM), lambda i: (0, 0)),
        ],
        out_specs=[
            pl.BlockSpec((512, DIM), lambda i: (i, 0)),
            pl.BlockSpec((512, DIM), lambda i: (i, 0)),
        ],
        out_shape=[
            jax.ShapeDtypeStruct((N, DIM), jnp.float32),
            jax.ShapeDtypeStruct((N, DIM), jnp.float32),
        ],
    )(x, Wk, bk.reshape(1, DIM), Wv, bv.reshape(1, DIM))


def _search_body(xq_ref, wq_ref, bq_ref, kh_ref, s256_ref, offr_ref, e160_ref,
                 idx_ref, probs_ref):
    h = pl.program_id(0)
    dn = (((1,), (1,)), ((), ()))
    xb = xq_ref[...]
    qh = lax.dot_general(xb, wq_ref[0], dn,
                         preferred_element_type=jnp.float32) + bq_ref[0]
    kh = kh_ref[0]
    kn = jnp.sum(kh * kh, axis=1)
    qn = jnp.sum(qh * qh, axis=1)
    qk = lax.dot_general(qh, kh, dn, preferred_element_type=jnp.float32)
    s = (2.0 * qk - qn[:, None]) - kn[None, :]
    iota = lax.broadcasted_iota(jnp.int32, (QB, N), 1)
    vals, inds = [], []
    for _ in range(KNN):
        m = jnp.max(s, axis=1, keepdims=True)
        a = jnp.argmax(s, axis=1).astype(jnp.int32)[:, None]
        vals.append(m)
        inds.append(a)
        s = jnp.where(iota == a, -jnp.inf, s)
    v10 = jnp.concatenate(vals, axis=1)
    i10 = jnp.concatenate(inds, axis=1)
    e = jnp.exp(v10 - v10[:, 0:1])
    p = e / jnp.sum(e, axis=1, keepdims=True)
    probs_ref[...] = lax.dot_general(p, e160_ref[...], (((1,), (0,)), ((), ())),
                                     preferred_element_type=jnp.float32, precision=lax.Precision.HIGHEST)
    t = i10 >> 12
    rem = i10 & 4095
    y = rem >> 6
    xw = rem & 63
    base = ((h * T + t) * HP + y) * HP + xw
    basef = base.astype(jnp.float32)
    idxf = lax.dot_general(basef, s256_ref[...], (((1,), (0,)), ((), ())),
                           preferred_element_type=jnp.float32, precision=lax.Precision.HIGHEST) + offr_ref[...]
    idx_ref[...] = jnp.floor(idxf + 0.5).astype(jnp.int32)


def _run_search(xq, Wq3, bq3, kh3):
    return pl.pallas_call(
        _search_body,
        grid=(HEADS, NQB),
        in_specs=[
            pl.BlockSpec((QB, DIM), lambda h, qb: (qb, 0)),
            pl.BlockSpec((1, EMBED, DIM), lambda h, qb: (h, 0, 0)),
            pl.BlockSpec((1, 1, EMBED), lambda h, qb: (h, 0, 0)),
            pl.BlockSpec((1, N, EMBED), lambda h, qb: (h, 0, 0)),
            pl.BlockSpec((KNN, IDXW), lambda h, qb: (0, 0)),
            pl.BlockSpec((1, IDXW), lambda h, qb: (0, 0)),
            pl.BlockSpec((KNN, KNN * 16), lambda h, qb: (0, 0)),
        ],
        out_specs=[
            pl.BlockSpec((QB, IDXW), lambda h, qb: (h * NQB + qb, 0)),
            pl.BlockSpec((QB, KNN * 16), lambda h, qb: (h * NQB + qb, 0)),
        ],
        out_shape=[
            jax.ShapeDtypeStruct((ITEMS, IDXW), jnp.int32),
            jax.ShapeDtypeStruct((ITEMS, KNN * 16), jnp.float32),
        ],
    )(xq, Wq3, bq3, kh3, jnp.asarray(_S256), jnp.asarray(_OFFROW),
      jnp.asarray(_E160))


def _sc_body(idx_hbm, pr_hbm, tab_hbm, out_hbm, idx_v, pv, rows_v, acc_v, sem):
    wid = lax.axis_index("s") * NC + lax.axis_index("c")

    def item_body(i, carry):
        item = wid * PER_W + i
        pltpu.sync_copy(idx_hbm.at[item], idx_v)
        pltpu.sync_copy(pr_hbm.at[item], pv)
        cp0 = pltpu.async_copy(tab_hbm.at[idx_v.at[0]],
                               rows_v.at[pl.ds(0, 128)], sem)
        cp1 = pltpu.async_copy(tab_hbm.at[idx_v.at[1]],
                               rows_v.at[pl.ds(128, 128)], sem)
        cp0.wait()
        cp1.wait()

        def p_body(p, cc):
            acc0 = jnp.zeros((16,), jnp.float32)
            acc1 = jnp.zeros((16,), jnp.float32)
            for k in range(KNN):
                pk = pv[k, :]
                j = k * PS2 + p
                acc0 = acc0 + pk * rows_v[j, pl.ds(0, 16)]
                acc1 = acc1 + pk * rows_v[j, pl.ds(16, 16)]
            acc_v[pl.ds(p * EMBED, 16)] = acc0
            acc_v[pl.ds(p * EMBED + 16, 16)] = acc1
            return cc

        lax.fori_loop(0, PS2, p_body, 0)
        pltpu.sync_copy(acc_v, out_hbm.at[item])
        return carry

    lax.fori_loop(0, PER_W, item_body, 0)


def _sc_agg(idx3, probs3, vtab):
    mesh = plsc.VectorSubcoreMesh(core_axis_name="c", subcore_axis_name="s")
    run = functools.partial(
        pl.kernel,
        out_type=jax.ShapeDtypeStruct((ITEMS, PS2 * EMBED), jnp.float32),
        mesh=mesh,
        scratch_types=[
            pltpu.VMEM((2, 128), jnp.int32),
            pltpu.VMEM((KNN, 16), jnp.float32),
            pltpu.VMEM((IDXW, 128), jnp.float32),
            pltpu.VMEM((PS2 * EMBED,), jnp.float32),
            pltpu.SemaphoreType.DMA,
        ],
    )(_sc_body)
    return run(idx3, probs3, vtab)


def _fold_body(p_ref, wp_ref, bp_ref, ci_ref, cm_ref, out_ref):
    h = pl.program_id(0)
    if True:
        ph = p_ref[...].reshape(T, NG, NG, PS, PS, EMBED)
        a = jnp.transpose(ph, (0, 1, 3, 2, 4, 5))
        main_h = a[:, :, 0:4]
        shift_h = a[:, 0:NG - 1, 4:5]
        col0 = jnp.concatenate(
            [jnp.zeros((T, 1, 1, NG, PS, EMBED), jnp.float32), shift_h], axis=1)
        dh = jnp.concatenate(
            [col0, jnp.zeros((T, NG, 3, NG, PS, EMBED), jnp.float32)], axis=2)
        sum_h = (main_h + dh).reshape(T, H, NG, PS, EMBED)
        p64h = a[:, NG - 1:NG, 4:5].reshape(T, 1, NG, PS, EMBED)
        full_h = jnp.concatenate(
            [sum_h[:, 2:H], p64h,
             jnp.zeros((T, 1, NG, PS, EMBED), jnp.float32)], axis=1)
        main_w = full_h[:, :, :, 0:4]
        shift_w = full_h[:, :, 0:NG - 1, 4:5]
        wcol0 = jnp.concatenate(
            [jnp.zeros((T, H, 1, 1, EMBED), jnp.float32), shift_w], axis=2)
        dw = jnp.concatenate(
            [wcol0, jnp.zeros((T, H, NG, 3, EMBED), jnp.float32)], axis=3)
        sum_w = (main_w + dw).reshape(T, H, W, EMBED)
        p64w = full_h[:, :, NG - 1:NG, 4:5].reshape(T, H, 1, EMBED)
        full = jnp.concatenate(
            [sum_w[:, :, 2:W], p64w,
             jnp.zeros((T, H, 1, EMBED), jnp.float32)], axis=2)
        flat = full.reshape(N, EMBED)
        contrib = lax.dot_general(flat, wp_ref[0], (((1,), (1,)), ((), ())),
                                  preferred_element_type=jnp.float32)

        @pl.when(h == 0)
        def _():
            out_ref[...] = contrib

        @pl.when(h != 0)
        def _():
            out_ref[...] = out_ref[...] + contrib

        @pl.when(h == HEADS - 1)
        def _():
            out_ref[...] = (out_ref[...] * ci_ref[...] +
                            bp_ref[...] * cm_ref[...])


def _run_fold(patches, Wp3, bp, cinv_flat, cmask_flat):
    return pl.pallas_call(
        _fold_body,
        grid=(HEADS,),
        in_specs=[
            pl.BlockSpec((Q, PS2 * EMBED), lambda h: (h, 0)),
            pl.BlockSpec((1, DIM, EMBED), lambda h: (h, 0, 0)),
            pl.BlockSpec((1, DIM), lambda h: (0, 0)),
            pl.BlockSpec((N, 1), lambda h: (0, 0)),
            pl.BlockSpec((N, 1), lambda h: (0, 0)),
        ],
        out_specs=pl.BlockSpec((N, DIM), lambda h: (0, 0)),
        out_shape=jax.ShapeDtypeStruct((N, DIM), jnp.float32),
    )(patches, Wp3, bp.reshape(1, DIM), cinv_flat, cmask_flat)


def kernel(vid, Wq, bq, Wk, bk, Wv, bv, Wp, bp):
    x = jnp.transpose(vid, (0, 1, 3, 4, 2)).reshape(N, DIM)
    kfeat, vfeat = _run_proj(x, Wk, bk, Wv, bv)

    xq = x.reshape(T, H, W, DIM)[:, ::STRIDE, ::STRIDE, :].reshape(Q, DIM)
    kh3 = kfeat.reshape(N, HEADS, EMBED).transpose(1, 0, 2)
    Wq3 = Wq.reshape(HEADS, EMBED, DIM)
    bq3 = bq.reshape(HEADS, 1, EMBED)
    idx, probs = _run_search(xq, Wq3, bq3, kh3)

    vtab = jnp.pad(
        vfeat.reshape(T, H, W, HEADS, EMBED).transpose(3, 0, 1, 2, 4),
        ((0, 0), (0, 0), (PADW, PADW), (PADW, PADW), (0, EMBED * 3)),
    ).reshape(VROWS, DIM)
    patches = _sc_agg(idx.reshape(ITEMS, 2, 128),
                      probs.reshape(ITEMS, KNN, 16), vtab)

    Wp3 = Wp.reshape(DIM, HEADS, EMBED).transpose(1, 0, 2)
    cinv = jnp.asarray(np.broadcast_to(_CINV[None], (T, H, W)).reshape(N, 1))
    cmask = jnp.asarray(np.broadcast_to(_CMASK[None], (T, H, W)).reshape(N, 1))
    out = _run_fold(patches, Wp3, bp, cinv, cmask)
    return out.reshape(1, T, H, W, DIM).transpose(0, 1, 4, 2, 3)

# --- scband reference (transcript-rebuilt; emitter-appended) ---
"""Pipeline reference for scband-non-local-attention-29746943492347 (READ-ONLY COPY).

The authoritative reference and input builder live on the scoring server;
editing this copy changes nothing except your own understanding.
"""

import jax, jax.numpy as jnp
import numpy as np

EMBED_DIM = 32
NHEADS = 4
DIM = EMBED_DIM * NHEADS
PS = 5
K = 10
STRIDE0 = 4
PAD = PS // 2


def setup_inputs(seed: int = 0) -> dict:
    key = jax.random.key(seed)
    ks = jax.random.split(key, 10)
    B, T, C, H, W = 1, 2, DIM, 64, 64
    scale = 1.0 / np.sqrt(DIM)
    vid = jax.random.normal(ks[0], (B, T, C, H, W), dtype=jnp.float32)
    Wq = jax.random.normal(ks[1], (DIM, DIM), dtype=jnp.float32) * scale
    bq = jnp.zeros((DIM,), dtype=jnp.float32)
    Wk = jax.random.normal(ks[2], (DIM, DIM), dtype=jnp.float32) * scale
    bk = jnp.zeros((DIM,), dtype=jnp.float32)
    Wv = jax.random.normal(ks[3], (DIM, DIM), dtype=jnp.float32) * scale
    bv = jnp.zeros((DIM,), dtype=jnp.float32)
    Wp = jax.random.normal(ks[4], (DIM, DIM), dtype=jnp.float32) * scale
    bp = jnp.zeros((DIM,), dtype=jnp.float32)
    return {"vid": vid, "Wq": Wq, "bq": bq, "Wk": Wk, "bk": bk, "Wv": Wv, "bv": bv, "Wp": Wp, "bp": bp}


def reference(vid, Wq, bq, Wk, bk, Wv, bv, Wp, bp):
    B, T, C, H, W = vid.shape
    N = T * H * W
    # qkv projection (1x1 conv == per-pixel linear)
    x = jnp.transpose(vid, (0, 1, 3, 4, 2)).reshape(B, N, C)
    q = x @ Wq.T + bq
    kfeat = x @ Wk.T + bk
    v = x @ Wv.T + bv
    # query grid at stride0
    nH = (H - 1) // STRIDE0 + 1
    nW = (W - 1) // STRIDE0 + 1
    tg, hg, wg = jnp.meshgrid(jnp.arange(T), jnp.arange(nH) * STRIDE0, jnp.arange(nW) * STRIDE0, indexing='ij')
    qidx = (tg * H * W + hg * W + wg).reshape(-1)
    Q = qidx.shape[0]
    qh = q.reshape(B, N, NHEADS, EMBED_DIM)[:, qidx].transpose(0, 2, 1, 3)  # [B,h,Q,ed]
    kh = kfeat.reshape(B, N, NHEADS, EMBED_DIM).transpose(0, 2, 1, 3)      # [B,h,N,ed]
    # exhaustive negative-L2 search + top-k (dnls search)
    qn = jnp.sum(qh * qh, -1)[..., None]
    kn = jnp.sum(kh * kh, -1)[:, :, None]
    sims = 2.0 * jnp.einsum('bhqd,bhnd->bhqn', qh, kh) - qn - kn
    dists, inds = jax.lax.top_k(sims, K)  # [B,h,Q,K]
    # normalization (softmax over k_n neighbors)
    probs = jax.nn.softmax(dists, axis=-1)
    # decode flat indices -> (t, h, w)
    t_i = inds // (H * W)
    rem = inds % (H * W)
    h_i = rem // W
    w_i = rem % W
    # weighted patch-sum aggregation (agg: wpsum)
    vimg = v.reshape(B, T, H, W, NHEADS, EMBED_DIM)
    vpad = jnp.pad(vimg, ((0, 0), (0, 0), (PAD, PAD), (PAD, PAD), (0, 0), (0, 0)))
    oi, oj = jnp.meshgrid(jnp.arange(PS), jnp.arange(PS), indexing='ij')
    oi = oi.reshape(-1)
    oj = oj.reshape(-1)
    ps2 = PS * PS

    def gather_b(vpad_b, t_b, h_b, w_b):
        hh = h_b[..., None] + oi
        ww = w_b[..., None] + oj
        tt = jnp.broadcast_to(t_b[..., None], hh.shape)
        head = jnp.broadcast_to(jnp.arange(NHEADS)[:, None, None, None], hh.shape)
        return vpad_b[tt, hh, ww, head]  # [h,Q,K,ps2,ed]

    gathered = jax.vmap(gather_b)(vpad, t_i, h_i, w_i)  # [B,h,Q,K,ps2,ed]
    patches = jnp.einsum('bhqk,bhqkpe->bhqpe', probs, gathered)
    patches = jnp.transpose(patches, (0, 2, 3, 1, 4)).reshape(B, Q, ps2, DIM)
    # transform (proj linear; dropout is identity in eval)
    patches = patches @ Wp.T + bp
    # fold (overlap-add with count normalization)
    Hp = H + 2 * PAD
    Wpd = W + 2 * PAD
    tg2 = tg.reshape(-1)
    hg2 = hg.reshape(-1)
    wg2 = wg.reshape(-1)
    hh = hg2[:, None] + oi
    ww = wg2[:, None] + oj
    tt = jnp.broadcast_to(tg2[:, None], hh.shape)
    flat = (tt * Hp + hh) * Wpd + ww  # [Q,ps2]
    out = jnp.zeros((B, T * Hp * Wpd, DIM), dtype=vid.dtype)
    cnt = jnp.zeros((T * Hp * Wpd,), dtype=vid.dtype)
    out = out.at[:, flat.reshape(-1)].add(patches.reshape(B, Q * ps2, DIM))
    cnt = cnt.at[flat.reshape(-1)].add(1.0)
    out = out / jnp.maximum(cnt, 1.0)[None, :, None]
    out = out.reshape(B, T, Hp, Wpd, DIM)[:, :, PAD:PAD + H, PAD:PAD + W]
    return jnp.transpose(out, (0, 1, 4, 2, 3))

if __name__ == "__main__":
    import jax
    _d = setup_inputs()
    print(jax.jit(kernel)(*tuple(_d.values())))

</pallas_src>

<mosaic_0001>
#map = affine_map<(d0, d1) -> (0, 0, 0)>
#map1 = affine_map<(d0, d1) -> (0, 0)>
module attributes {stable_mosaic.version = 14 : i64} {
  func.func @_sc_body(%arg0: i32, %arg1: i32, %arg2: memref<2048x2x128xi32, #tpu.memory_space<hbm>>, %arg3: memref<2048x10x16xf32, #tpu.memory_space<hbm>>, %arg4: memref<36992x128xf32, #tpu.memory_space<hbm>>, %arg5: memref<2048x800xf32, #tpu.memory_space<hbm>>, %arg6: memref<2x128xi32, #tpu.memory_space<vmem>>, %arg7: memref<10x16xf32, #tpu.memory_space<vmem>>, %arg8: memref<256x128xf32, #tpu.memory_space<vmem>>, %arg9: memref<800xf32, #tpu.memory_space<vmem>>, %arg10: memref<!tpu.dma_semaphore, #tpu.memory_space<semaphore_mem>>) attributes {dimension_semantics = [#tpu.dimension_semantics<core_parallel>, #tpu.dimension_semantics<subcore_parallel>], iteration_bounds = array<i64: 2, 16>, scalar_prefetch = 0 : i64, scratch_operands = 5 : i64, tpu.core_type = #tpu.core_type<sc_vector_subcore>, window_params = [{transform_indices = #map}, {transform_indices = #map}, {transform_indices = #map1}, {transform_indices = #map1}]} {
    %mul3A = arith.constant 2 : i32
    %mul3A_0 = arith.muli %arg1, %mul3A : i32
    %add3A = arith.addi %mul3A_0, %arg0 : i32
    %scan3A = arith.constant 0 : i32
    %scan3A_1 = arith.constant 0 : i32
    %scan3A_2 = arith.constant 64 : i32
    %scan3A_3 = arith.addi %scan3A_1, %scan3A_2 : i32
    %scan3A_4 = arith.constant 1 : i32
    scf.for %scan3A_6 = %scan3A_1 to %scan3A_3 step %scan3A_4  : i32 {
      %mul3A_7 = arith.constant 64 : i32
      %mul3A_8 = arith.muli %add3A, %mul3A_7 : i32
      %add3A_9 = arith.addi %mul3A_8, %scan3A_6 : i32
      "tpu.region"() ({
        %run_scoped3A = tpu.sem_alloc : memref<!tpu.dma_semaphore, #tpu.memory_space<semaphore_mem>>
        %dma_start3A_54 = arith.constant 0 : i32
        %dma_start3A_55 = arith.constant 0 : i32
        %dma_start3A_56 = tpu.memref_slice %arg2[%add3A_9, %dma_start3A_54, %dma_start3A_55] : memref<2048x2x128xi32, #tpu.memory_space<hbm>> -> memref<1x2x128xi32, #tpu.memory_space<hbm>>
        %dma_start3A_57 = tpu.memref_squeeze %dma_start3A_56 : memref<1x2x128xi32, #tpu.memory_space<hbm>> -> memref<2x128xi32, #tpu.memory_space<hbm>>
        %dma_start3A_58 = arith.constant 0 : i32
        %dma_start3A_59 = arith.constant 0 : i32
        %dma_start3A_60 = tpu.memref_slice %arg2[%add3A_9, %dma_start3A_58, %dma_start3A_59] : memref<2048x2x128xi32, #tpu.memory_space<hbm>> -> memref<1x2x128xi32, #tpu.memory_space<hbm>>
        %dma_start3A_61 = tpu.memref_squeeze %dma_start3A_60 : memref<1x2x128xi32, #tpu.memory_space<hbm>> -> memref<2x128xi32, #tpu.memory_space<hbm>>
        tpu.enqueue_dma source(%dma_start3A_61 : memref<2x128xi32, #tpu.memory_space<hbm>>) target(%arg6 : memref<2x128xi32, #tpu.memory_space<vmem>>) target_semaphore(%run_scoped3A : memref<!tpu.dma_semaphore, #tpu.memory_space<semaphore_mem>>)
        %dma_wait3A_62 = arith.constant 0 : i32
        %dma_wait3A_63 = arith.constant 0 : i32
        %dma_wait3A_64 = tpu.memref_slice %arg2[%add3A_9, %dma_wait3A_62, %dma_wait3A_63] : memref<2048x2x128xi32, #tpu.memory_space<hbm>> -> memref<1x2x128xi32, #tpu.memory_space<hbm>>
        %dma_wait3A_65 = tpu.memref_squeeze %dma_wait3A_64 : memref<1x2x128xi32, #tpu.memory_space<hbm>> -> memref<2x128xi32, #tpu.memory_space<hbm>>
        %dma_wait3A_66 = arith.constant 0 : i32
        %dma_wait3A_67 = arith.constant 0 : i32
        %dma_wait3A_68 = tpu.memref_slice %arg2[%add3A_9, %dma_wait3A_66, %dma_wait3A_67] : memref<2048x2x128xi32, #tpu.memory_space<hbm>> -> memref<1x2x128xi32, #tpu.memory_space<hbm>>
        %dma_wait3A_69 = tpu.memref_squeeze %dma_wait3A_68 : memref<1x2x128xi32, #tpu.memory_space<hbm>> -> memref<2x128xi32, #tpu.memory_space<hbm>>
        tpu.wait_dma2 semaphore(%run_scoped3A : memref<!tpu.dma_semaphore, #tpu.memory_space<semaphore_mem>>) src(%dma_wait3A_69 : memref<2x128xi32, #tpu.memory_space<hbm>>) dst(%arg6 : memref<2x128xi32, #tpu.memory_space<vmem>>)
        tpu.yield
      }) : () -> ()
      "tpu.region"() ({
        %run_scoped3A = tpu.sem_alloc : memref<!tpu.dma_semaphore, #tpu.memory_space<semaphore_mem>>
        %dma_start3A_54 = arith.constant 0 : i32
        %dma_start3A_55 = arith.constant 0 : i32
        %dma_start3A_56 = tpu.memref_slice %arg3[%add3A_9, %dma_start3A_54, %dma_start3A_55] : memref<2048x10x16xf32, #tpu.memory_space<hbm>> -> memref<1x10x16xf32, #tpu.memory_space<hbm>>
        %dma_start3A_57 = tpu.memref_squeeze %dma_start3A_56 : memref<1x10x16xf32, #tpu.memory_space<hbm>> -> memref<10x16xf32, #tpu.memory_space<hbm>>
        %dma_start3A_58 = arith.constant 0 : i32
        %dma_start3A_59 = arith.constant 0 : i32
        %dma_start3A_60 = tpu.memref_slice %arg3[%add3A_9, %dma_start3A_58, %dma_start3A_59] : memref<2048x10x16xf32, #tpu.memory_space<hbm>> -> memref<1x10x16xf32, #tpu.memory_space<hbm>>
        %dma_start3A_61 = tpu.memref_squeeze %dma_start3A_60 : memref<1x10x16xf32, #tpu.memory_space<hbm>> -> memref<10x16xf32, #tpu.memory_space<hbm>>
        tpu.enqueue_dma source(%dma_start3A_61 : memref<10x16xf32, #tpu.memory_space<hbm>>) target(%arg7 : memref<10x16xf32, #tpu.memory_space<vmem>>) target_semaphore(%run_scoped3A : memref<!tpu.dma_semaphore, #tpu.memory_space<semaphore_mem>>)
        %dma_wait3A_62 = arith.constant 0 : i32
        %dma_wait3A_63 = arith.constant 0 : i32
        %dma_wait3A_64 = tpu.memref_slice %arg3[%add3A_9, %dma_wait3A_62, %dma_wait3A_63] : memref<2048x10x16xf32, #tpu.memory_space<hbm>> -> memref<1x10x16xf32, #tpu.memory_space<hbm>>
        %dma_wait3A_65 = tpu.memref_squeeze %dma_wait3A_64 : memref<1x10x16xf32, #tpu.memory_space<hbm>> -> memref<10x16xf32, #tpu.memory_space<hbm>>
        %dma_wait3A_66 = arith.constant 0 : i32
        %dma_wait3A_67 = arith.constant 0 : i32
        %dma_wait3A_68 = tpu.memref_slice %arg3[%add3A_9, %dma_wait3A_66, %dma_wait3A_67] : memref<2048x10x16xf32, #tpu.memory_space<hbm>> -> memref<1x10x16xf32, #tpu.memory_space<hbm>>
        %dma_wait3A_69 = tpu.memref_squeeze %dma_wait3A_68 : memref<1x10x16xf32, #tpu.memory_space<hbm>> -> memref<10x16xf32, #tpu.memory_space<hbm>>
        tpu.wait_dma2 semaphore(%run_scoped3A : memref<!tpu.dma_semaphore, #tpu.memory_space<semaphore_mem>>) src(%dma_wait3A_69 : memref<10x16xf32, #tpu.memory_space<hbm>>) dst(%arg7 : memref<10x16xf32, #tpu.memory_space<vmem>>)
        tpu.yield
      }) : () -> ()
      %dma_start3A = arith.constant 0 : i32
      %dma_start3A_10 = arith.constant 0 : i32
      %dma_start3A_11 = arith.constant 0 : i32
      %dma_start3A_12 = tpu.memref_slice %arg8[%dma_start3A_10, %dma_start3A_11] : memref<256x128xf32, #tpu.memory_space<vmem>> -> memref<128x128xf32, #tpu.memory_space<vmem>>
      %dma_start3A_13 = arith.constant 0 : i32
      %dma_start3A_14 = tpu.memref_slice %arg6[%dma_start3A, %dma_start3A_13] : memref<2x128xi32, #tpu.memory_space<vmem>> -> memref<1x128xi32, #tpu.memory_space<vmem>>
      %dma_start3A_15 = tpu.memref_squeeze %dma_start3A_14 : memref<1x128xi32, #tpu.memory_space<vmem>> -> memref<128xi32, #tpu.memory_space<vmem>>
      %dma_start3A_16 = arith.constant 0 : i32
      %dma_start3A_17 = arith.constant 0 : i32
      %dma_start3A_18 = tpu.memref_slice %arg4[%dma_start3A_16, %dma_start3A_17] : memref<36992x128xf32, #tpu.memory_space<hbm>> -> memref<36992x128xf32, #tpu.memory_space<hbm>>
      tpu.enqueue_indirect_dma source(%dma_start3A_18 : memref<36992x128xf32, #tpu.memory_space<hbm>>) target(%dma_start3A_12 : memref<128x128xf32, #tpu.memory_space<vmem>>) offsets(%dma_start3A_15 : memref<128xi32, #tpu.memory_space<vmem>>) semaphore(%arg10 : memref<!tpu.dma_semaphore, #tpu.memory_space<semaphore_mem>>)
      %dma_start3A_19 = arith.constant 1 : i32
      %dma_start3A_20 = arith.constant 128 : i32
      %dma_start3A_21 = arith.constant 0 : i32
      %dma_start3A_22 = tpu.memref_slice %arg8[%dma_start3A_20, %dma_start3A_21] : memref<256x128xf32, #tpu.memory_space<vmem>> -> memref<128x128xf32, #tpu.memory_space<vmem>>
      %dma_start3A_23 = arith.constant 0 : i32
      %dma_start3A_24 = tpu.memref_slice %arg6[%dma_start3A_19, %dma_start3A_23] : memref<2x128xi32, #tpu.memory_space<vmem>> -> memref<1x128xi32, #tpu.memory_space<vmem>>
      %dma_start3A_25 = tpu.memref_squeeze %dma_start3A_24 : memref<1x128xi32, #tpu.memory_space<vmem>> -> memref<128xi32, #tpu.memory_space<vmem>>
      %dma_start3A_26 = arith.constant 0 : i32
      %dma_start3A_27 = arith.constant 0 : i32
      %dma_start3A_28 = tpu.memref_slice %arg4[%dma_start3A_26, %dma_start3A_27] : memref<36992x128xf32, #tpu.memory_space<hbm>> -> memref<36992x128xf32, #tpu.memory_space<hbm>>
      tpu.enqueue_indirect_dma source(%dma_start3A_28 : memref<36992x128xf32, #tpu.memory_space<hbm>>) target(%dma_start3A_22 : memref<128x128xf32, #tpu.memory_space<vmem>>) offsets(%dma_start3A_25 : memref<128xi32, #tpu.memory_space<vmem>>) semaphore(%arg10 : memref<!tpu.dma_semaphore, #tpu.memory_space<semaphore_mem>>)
      %dma_wait3A = arith.constant 0 : i32
      %dma_wait3A_29 = arith.constant 0 : i32
      %dma_wait3A_30 = arith.constant 0 : i32
      %dma_wait3A_31 = tpu.memref_slice %arg8[%dma_wait3A_29, %dma_wait3A_30] : memref<256x128xf32, #tpu.memory_space<vmem>> -> memref<128x128xf32, #tpu.memory_space<vmem>>
      %dma_wait3A_32 = arith.constant 0 : i32
      %dma_wait3A_33 = tpu.memref_slice %arg6[%dma_wait3A, %dma_wait3A_32] : memref<2x128xi32, #tpu.memory_space<vmem>> -> memref<1x128xi32, #tpu.memory_space<vmem>>
      %dma_wait3A_34 = tpu.memref_squeeze %dma_wait3A_33 : memref<1x128xi32, #tpu.memory_space<vmem>> -> memref<128xi32, #tpu.memory_space<vmem>>
      %dma_wait3A_35 = arith.constant 0 : i32
      %dma_wait3A_36 = arith.constant 0 : i32
      %dma_wait3A_37 = tpu.memref_slice %arg4[%dma_wait3A_35, %dma_wait3A_36] : memref<36992x128xf32, #tpu.memory_space<hbm>> -> memref<36992x128xf32, #tpu.memory_space<hbm>>
      tpu.wait_indirect_dma semaphore(%arg10 : memref<!tpu.dma_semaphore, #tpu.memory_space<semaphore_mem>>) src(%dma_wait3A_37 : memref<36992x128xf32, #tpu.memory_space<hbm>>) dst(%dma_wait3A_31 : memref<128x128xf32, #tpu.memory_space<vmem>>)
      %dma_wait3A_38 = arith.constant 1 : i32
      %dma_wait3A_39 = arith.constant 128 : i32
      %dma_wait3A_40 = arith.constant 0 : i32
      %dma_wait3A_41 = tpu.memref_slice %arg8[%dma_wait3A_39, %dma_wait3A_40] : memref<256x128xf32, #tpu.memory_space<vmem>> -> memref<128x128xf32, #tpu.memory_space<vmem>>
      %dma_wait3A_42 = arith.constant 0 : i32
      %dma_wait3A_43 = tpu.memref_slice %arg6[%dma_wait3A_38, %dma_wait3A_42] : memref<2x128xi32, #tpu.memory_space<vmem>> -> memref<1x128xi32, #tpu.memory_space<vmem>>
      %dma_wait3A_44 = tpu.memref_squeeze %dma_wait3A_43 : memref<1x128xi32, #tpu.memory_space<vmem>> -> memref<128xi32, #tpu.memory_space<vmem>>
      %dma_wait3A_45 = arith.constant 0 : i32
      %dma_wait3A_46 = arith.constant 0 : i32
      %dma_wait3A_47 = tpu.memref_slice %arg4[%dma_wait3A_45, %dma_wait3A_46] : memref<36992x128xf32, #tpu.memory_space<hbm>> -> memref<36992x128xf32, #tpu.memory_space<hbm>>
      tpu.wait_indirect_dma semaphore(%arg10 : memref<!tpu.dma_semaphore, #tpu.memory_space<semaphore_mem>>) src(%dma_wait3A_47 : memref<36992x128xf32, #tpu.memory_space<hbm>>) dst(%dma_wait3A_41 : memref<128x128xf32, #tpu.memory_space<vmem>>)
      %scan3A_48 = arith.constant 0 : i32
      %scan3A_49 = arith.constant 0 : i32
      %scan3A_50 = arith.constant 25 : i32
      %scan3A_51 = arith.addi %scan3A_49, %scan3A_50 : i32
      %scan3A_52 = arith.constant 1 : i32
      scf.for %scan3A_54 = %scan3A_49 to %scan3A_51 step %scan3A_52  : i32 {
        %broadcast_in_dim3A = arith.constant 0.000000e+00 : f32
        %broadcast_in_dim3A_55 = vector.broadcast %broadcast_in_dim3A : f32 to vector<16xf32>
        %broadcast_in_dim3A_56 = arith.constant 0.000000e+00 : f32
        %broadcast_in_dim3A_57 = vector.broadcast %broadcast_in_dim3A_56 : f32 to vector<16xf32>
        %get3A = arith.constant 0 : i32
        %get3A_58 = arith.index_cast %get3A : i32 to index
        %get3A_59 = arith.constant 0 : index
        %get3A_60 = tpu.vector_load %arg7[%get3A_58, %get3A_59] {strides = array<i32>} : memref<10x16xf32, #tpu.memory_space<vmem>>, vector<1x16xf32>,
        %get3A_61 = vector.shape_cast %get3A_60 : vector<1x16xf32> to vector<16xf32>
        %add3A_62 = arith.constant 0 : i32
        %add3A_63 = arith.addi %add3A_62, %scan3A_54 : i32
        %get3A_64 = arith.index_cast %add3A_63 : i32 to index
        %get3A_65 = arith.constant 0 : index
        %get3A_66 = tpu.vector_load %arg8[%get3A_64, %get3A_65] {strides = array<i32>} : memref<256x128xf32, #tpu.memory_space<vmem>>, vector<1x16xf32>,
        %get3A_67 = vector.shape_cast %get3A_66 : vector<1x16xf32> to vector<16xf32>
        %mul3A_68 = arith.mulf %get3A_61, %get3A_67 : vector<16xf32>
        %add3A_69 = arith.addf %broadcast_in_dim3A_55, %mul3A_68 : vector<16xf32>
        %get3A_70 = arith.index_cast %add3A_63 : i32 to index
        %get3A_71 = arith.constant 16 : index
        %get3A_72 = tpu.vector_load %arg8[%get3A_70, %get3A_71] {strides = array<i32>} : memref<256x128xf32, #tpu.memory_space<vmem>>, vector<1x16xf32>,
        %get3A_73 = vector.shape_cast %get3A_72 : vector<1x16xf32> to vector<16xf32>
        %mul3A_74 = arith.mulf %get3A_61, %get3A_73 : vector<16xf32>
        %add3A_75 = arith.addf %broadcast_in_dim3A_57, %mul3A_74 : vector<16xf32>
        %get3A_76 = arith.constant 1 : i32
        %get3A_77 = arith.index_cast %get3A_76 : i32 to index
        %get3A_78 = arith.constant 0 : index
        %get3A_79 = tpu.vector_load %arg7[%get3A_77, %get3A_78] {strides = array<i32>} : memref<10x16xf32, #tpu.memory_space<vmem>>, vector<1x16xf32>,
        %get3A_80 = vector.shape_cast %get3A_79 : vector<1x16xf32> to vector<16xf32>
        %add3A_81 = arith.constant 25 : i32
        %add3A_82 = arith.addi %add3A_81, %scan3A_54 : i32
        %get3A_83 = arith.index_cast %add3A_82 : i32 to index
        %get3A_84 = arith.constant 0 : index
        %get3A_85 = tpu.vector_load %arg8[%get3A_83, %get3A_84] {strides = array<i32>} : memref<256x128xf32, #tpu.memory_space<vmem>>, vector<1x16xf32>,
        %get3A_86 = vector.shape_cast %get3A_85 : vector<1x16xf32> to vector<16xf32>
        %mul3A_87 = arith.mulf %get3A_80, %get3A_86 : vector<16xf32>
        %add3A_88 = arith.addf %add3A_69, %mul3A_87 : vector<16xf32>
        %get3A_89 = arith.index_cast %add3A_82 : i32 to index
        %get3A_90 = arith.constant 16 : index
        %get3A_91 = tpu.vector_load %arg8[%get3A_89, %get3A_90] {strides = array<i32>} : memref<256x128xf32, #tpu.memory_space<vmem>>, vector<1x16xf32>,
        %get3A_92 = vector.shape_cast %get3A_91 : vector<1x16xf32> to vector<16xf32>
        %mul3A_93 = arith.mulf %get3A_80, %get3A_92 : vector<16xf32>
        %add3A_94 = arith.addf %add3A_75, %mul3A_93 : vector<16xf32>
        %get3A_95 = arith.constant 2 : i32
        %get3A_96 = arith.index_cast %get3A_95 : i32 to index
        %get3A_97 = arith.constant 0 : index
        %get3A_98 = tpu.vector_load %arg7[%get3A_96, %get3A_97] {strides = array<i32>} : memref<10x16xf32, #tpu.memory_space<vmem>>, vector<1x16xf32>,
        %get3A_99 = vector.shape_cast %get3A_98 : vector<1x16xf32> to vector<16xf32>
        %add3A_100 = arith.constant 50 : i32
        %add3A_101 = arith.addi %add3A_100, %scan3A_54 : i32
        %get3A_102 = arith.index_cast %add3A_101 : i32 to index
        %get3A_103 = arith.constant 0 : index
        %get3A_104 = tpu.vector_load %arg8[%get3A_102, %get3A_103] {strides = array<i32>} : memref<256x128xf32, #tpu.memory_space<vmem>>, vector<1x16xf32>,
        %get3A_105 = vector.shape_cast %get3A_104 : vector<1x16xf32> to vector<16xf32>
        %mul3A_106 = arith.mulf %get3A_99, %get3A_105 : vector<16xf32>
        %add3A_107 = arith.addf %add3A_88, %mul3A_106 : vector<16xf32>
        %get3A_108 = arith.index_cast %add3A_101 : i32 to index
        %get3A_109 = arith.constant 16 : index
        %get3A_110 = tpu.vector_load %arg8[%get3A_108, %get3A_109] {strides = array<i32>} : memref<256x128xf32, #tpu.memory_space<vmem>>, vector<1x16xf32>,
        %get3A_111 = vector.shape_cast %get3A_110 : vector<1x16xf32> to vector<16xf32>
        %mul3A_112 = arith.mulf %get3A_99, %get3A_111 : vector<16xf32>
        %add3A_113 = arith.addf %add3A_94, %mul3A_112 : vector<16xf32>
        %get3A_114 = arith.constant 3 : i32
        %get3A_115 = arith.index_cast %get3A_114 : i32 to index
        %get3A_116 = arith.constant 0 : index
        %get3A_117 = tpu.vector_load %arg7[%get3A_115, %get3A_116] {strides = array<i32>} : memref<10x16xf32, #tpu.memory_space<vmem>>, vector<1x16xf32>,
        %get3A_118 = vector.shape_cast %get3A_117 : vector<1x16xf32> to vector<16xf32>
        %add3A_119 = arith.constant 75 : i32
        %add3A_120 = arith.addi %add3A_119, %scan3A_54 : i32
        %get3A_121 = arith.index_cast %add3A_120 : i32 to index
        %get3A_122 = arith.constant 0 : index
        %get3A_123 = tpu.vector_load %arg8[%get3A_121, %get3A_122] {strides = array<i32>} : memref<256x128xf32, #tpu.memory_space<vmem>>, vector<1x16xf32>,
        %get3A_124 = vector.shape_cast %get3A_123 : vector<1x16xf32> to vector<16xf32>
        %mul3A_125 = arith.mulf %get3A_118, %get3A_124 : vector<16xf32>
        %add3A_126 = arith.addf %add3A_107, %mul3A_125 : vector<16xf32>
        %get3A_127 = arith.index_cast %add3A_120 : i32 to index
        %get3A_128 = arith.constant 16 : index
        %get3A_129 = tpu.vector_load %arg8[%get3A_127, %get3A_128] {strides = array<i32>} : memref<256x128xf32, #tpu.memory_space<vmem>>, vector<1x16xf32>,
        %get3A_130 = vector.shape_cast %get3A_129 : vector<1x16xf32> to vector<16xf32>
        %mul3A_131 = arith.mulf %get3A_118, %get3A_130 : vector<16xf32>
        %add3A_132 = arith.addf %add3A_113, %mul3A_131 : vector<16xf32>
        %get3A_133 = arith.constant 4 : i32
        %get3A_134 = arith.index_cast %get3A_133 : i32 to index
        %get3A_135 = arith.constant 0 : index
        %get3A_136 = tpu.vector_load %arg7[%get3A_134, %get3A_135] {strides = array<i32>} : memref<10x16xf32, #tpu.memory_space<vmem>>, vector<1x16xf32>,
        %get3A_137 = vector.shape_cast %get3A_136 : vector<1x16xf32> to vector<16xf32>
        %add3A_138 = arith.constant 100 : i32
        %add3A_139 = arith.addi %add3A_138, %scan3A_54 : i32
        %get3A_140 = arith.index_cast %add3A_139 : i32 to index
        %get3A_141 = arith.constant 0 : index
        %get3A_142 = tpu.vector_load %arg8[%get3A_140, %get3A_141] {strides = array<i32>} : memref<256x128xf32, #tpu.memory_space<vmem>>, vector<1x16xf32>,
        %get3A_143 = vector.shape_cast %get3A_142 : vector<1x16xf32> to vector<16xf32>
        %mul3A_144 = arith.mulf %get3A_137, %get3A_143 : vector<16xf32>
        %add3A_145 = arith.addf %add3A_126, %mul3A_144 : vector<16xf32>
        %get3A_146 = arith.index_cast %add3A_139 : i32 to index
        %get3A_147 = arith.constant 16 : index
        %get3A_148 = tpu.vector_load %arg8[%get3A_146, %get3A_147] {strides = array<i32>} : memref<256x128xf32, #tpu.memory_space<vmem>>, vector<1x16xf32>,
        %get3A_149 = vector.shape_cast %get3A_148 : vector<1x16xf32> to vector<16xf32>
        %mul3A_150 = arith.mulf %get3A_137, %get3A_149 : vector<16xf32>
        %add3A_151 = arith.addf %add3A_132, %mul3A_150 : vector<16xf32>
        %get3A_152 = arith.constant 5 : i32
        %get3A_153 = arith.index_cast %get3A_152 : i32 to index
        %get3A_154 = arith.constant 0 : index
        %get3A_155 = tpu.vector_load %arg7[%get3A_153, %get3A_154] {strides = array<i32>} : memref<10x16xf32, #tpu.memory_space<vmem>>, vector<1x16xf32>,
        %get3A_156 = vector.shape_cast %get3A_155 : vector<1x16xf32> to vector<16xf32>
        %add3A_157 = arith.constant 125 : i32
        %add3A_158 = arith.addi %add3A_157, %scan3A_54 : i32
        %get3A_159 = arith.index_cast %add3A_158 : i32 to index
        %get3A_160 = arith.constant 0 : index
        %get3A_161 = tpu.vector_load %arg8[%get3A_159, %get3A_160] {strides = array<i32>} : memref<256x128xf32, #tpu.memory_space<vmem>>, vector<1x16xf32>,
        %get3A_162 = vector.shape_cast %get3A_161 : vector<1x16xf32> to vector<16xf32>
        %mul3A_163 = arith.mulf %get3A_156, %get3A_162 : vector<16xf32>
        %add3A_164 = arith.addf %add3A_145, %mul3A_163 : vector<16xf32>
        %get3A_165 = arith.index_cast %add3A_158 : i32 to index
        %get3A_166 = arith.constant 16 : index
        %get3A_167 = tpu.vector_load %arg8[%get3A_165, %get3A_166] {strides = array<i32>} : memref<256x128xf32, #tpu.memory_space<vmem>>, vector<1x16xf32>,
        %get3A_168 = vector.shape_cast %get3A_167 : vector<1x16xf32> to vector<16xf32>
        %mul3A_169 = arith.mulf %get3A_156, %get3A_168 : vector<16xf32>
        %add3A_170 = arith.addf %add3A_151, %mul3A_169 : vector<16xf32>
        %get3A_171 = arith.constant 6 : i32
        %get3A_172 = arith.index_cast %get3A_171 : i32 to index
        %get3A_173 = arith.constant 0 : index
        %get3A_174 = tpu.vector_load %arg7[%get3A_172, %get3A_173] {strides = array<i32>} : memref<10x16xf32, #tpu.memory_space<vmem>>, vector<1x16xf32>,
        %get3A_175 = vector.shape_cast %get3A_174 : vector<1x16xf32> to vector<16xf32>
        %add3A_176 = arith.constant 150 : i32
        %add3A_177 = arith.addi %add3A_176, %scan3A_54 : i32
        %get3A_178 = arith.index_cast %add3A_177 : i32 to index
        %get3A_179 = arith.constant 0 : index
        %get3A_180 = tpu.vector_load %arg8[%get3A_178, %get3A_179] {strides = array<i32>} : memref<256x128xf32, #tpu.memory_space<vmem>>, vector<1x16xf32>,
        %get3A_181 = vector.shape_cast %get3A_180 : vector<1x16xf32> to vector<16xf32>
        %mul3A_182 = arith.mulf %get3A_175, %get3A_181 : vector<16xf32>
        %add3A_183 = arith.addf %add3A_164, %mul3A_182 : vector<16xf32>
        %get3A_184 = arith.index_cast %add3A_177 : i32 to index
        %get3A_185 = arith.constant 16 : index
        %get3A_186 = tpu.vector_load %arg8[%get3A_184, %get3A_185] {strides = array<i32>} : memref<256x128xf32, #tpu.memory_space<vmem>>, vector<1x16xf32>,
        %get3A_187 = vector.shape_cast %get3A_186 : vector<1x16xf32> to vector<16xf32>
        %mul3A_188 = arith.mulf %get3A_175, %get3A_187 : vector<16xf32>
        %add3A_189 = arith.addf %add3A_170, %mul3A_188 : vector<16xf32>
        %get3A_190 = arith.constant 7 : i32
        %get3A_191 = arith.index_cast %get3A_190 : i32 to index
        %get3A_192 = arith.constant 0 : index
        %get3A_193 = tpu.vector_load %arg7[%get3A_191, %get3A_192] {strides = array<i32>} : memref<10x16xf32, #tpu.memory_space<vmem>>, vector<1x16xf32>,
        %get3A_194 = vector.shape_cast %get3A_193 : vector<1x16xf32> to vector<16xf32>
        %add3A_195 = arith.constant 175 : i32
        %add3A_196 = arith.addi %add3A_195, %scan3A_54 : i32
        %get3A_197 = arith.index_cast %add3A_196 : i32 to index
        %get3A_198 = arith.constant 0 : index
        %get3A_199 = tpu.vector_load %arg8[%get3A_197, %get3A_198] {strides = array<i32>} : memref<256x128xf32, #tpu.memory_space<vmem>>, vector<1x16xf32>,
        %get3A_200 = vector.shape_cast %get3A_199 : vector<1x16xf32> to vector<16xf32>
        %mul3A_201 = arith.mulf %get3A_194, %get3A_200 : vector<16xf32>
        %add3A_202 = arith.addf %add3A_183, %mul3A_201 : vector<16xf32>
        %get3A_203 = arith.index_cast %add3A_196 : i32 to index
        %get3A_204 = arith.constant 16 : index
        %get3A_205 = tpu.vector_load %arg8[%get3A_203, %get3A_204] {strides = array<i32>} : memref<256x128xf32, #tpu.memory_space<vmem>>, vector<1x16xf32>,
        %get3A_206 = vector.shape_cast %get3A_205 : vector<1x16xf32> to vector<16xf32>
        %mul3A_207 = arith.mulf %get3A_194, %get3A_206 : vector<16xf32>
        %add3A_208 = arith.addf %add3A_189, %mul3A_207 : vector<16xf32>
        %get3A_209 = arith.constant 8 : i32
        %get3A_210 = arith.index_cast %get3A_209 : i32 to index
        %get3A_211 = arith.constant 0 : index
        %get3A_212 = tpu.vector_load %arg7[%get3A_210, %get3A_211] {strides = array<i32>} : memref<10x16xf32, #tpu.memory_space<vmem>>, vector<1x16xf32>,
        %get3A_213 = vector.shape_cast %get3A_212 : vector<1x16xf32> to vector<16xf32>
        %add3A_214 = arith.constant 200 : i32
        %add3A_215 = arith.addi %add3A_214, %scan3A_54 : i32
        %get3A_216 = arith.index_cast %add3A_215 : i32 to index
        %get3A_217 = arith.constant 0 : index
        %get3A_218 = tpu.vector_load %arg8[%get3A_216, %get3A_217] {strides = array<i32>} : memref<256x128xf32, #tpu.memory_space<vmem>>, vector<1x16xf32>,
        %get3A_219 = vector.shape_cast %get3A_218 : vector<1x16xf32> to vector<16xf32>
        %mul3A_220 = arith.mulf %get3A_213, %get3A_219 : vector<16xf32>
        %add3A_221 = arith.addf %add3A_202, %mul3A_220 : vector<16xf32>
        %get3A_222 = arith.index_cast %add3A_215 : i32 to index
        %get3A_223 = arith.constant 16 : index
        %get3A_224 = tpu.vector_load %arg8[%get3A_222, %get3A_223] {strides = array<i32>} : memref<256x128xf32, #tpu.memory_space<vmem>>, vector<1x16xf32>,
        %get3A_225 = vector.shape_cast %get3A_224 : vector<1x16xf32> to vector<16xf32>
        %mul3A_226 = arith.mulf %get3A_213, %get3A_225 : vector<16xf32>
        %add3A_227 = arith.addf %add3A_208, %mul3A_226 : vector<16xf32>
        %get3A_228 = arith.constant 9 : i32
        %get3A_229 = arith.index_cast %get3A_228 : i32 to index
        %get3A_230 = arith.constant 0 : index
        %get3A_231 = tpu.vector_load %arg7[%get3A_229, %get3A_230] {strides = array<i32>} : memref<10x16xf32, #tpu.memory_space<vmem>>, vector<1x16xf32>,
        %get3A_232 = vector.shape_cast %get3A_231 : vector<1x16xf32> to vector<16xf32>
        %add3A_233 = arith.constant 225 : i32
        %add3A_234 = arith.addi %add3A_233, %scan3A_54 : i32
        %get3A_235 = arith.index_cast %add3A_234 : i32 to index
        %get3A_236 = arith.constant 0 : index
        %get3A_237 = tpu.vector_load %arg8[%get3A_235, %get3A_236] {strides = array<i32>} : memref<256x128xf32, #tpu.memory_space<vmem>>, vector<1x16xf32>,
        %get3A_238 = vector.shape_cast %get3A_237 : vector<1x16xf32> to vector<16xf32>
        %mul3A_239 = arith.mulf %get3A_232, %get3A_238 : vector<16xf32>
        %add3A_240 = arith.addf %add3A_221, %mul3A_239 : vector<16xf32>
        %get3A_241 = arith.index_cast %add3A_234 : i32 to index
        %get3A_242 = arith.constant 16 : index
        %get3A_243 = tpu.vector_load %arg8[%get3A_241, %get3A_242] {strides = array<i32>} : memref<256x128xf32, #tpu.memory_space<vmem>>, vector<1x16xf32>,
        %get3A_244 = vector.shape_cast %get3A_243 : vector<1x16xf32> to vector<16xf32>
        %mul3A_245 = arith.mulf %get3A_232, %get3A_244 : vector<16xf32>
        %add3A_246 = arith.addf %add3A_227, %mul3A_245 : vector<16xf32>
        %mul3A_247 = arith.constant 32 : i32
        %mul3A_248 = arith.muli %scan3A_54, %mul3A_247 : i32
        %swap3A = arith.index_cast %mul3A_248 : i32 to index
        %swap3A_249 = tpu.vector_load %arg9[%swap3A] {strides = array<i32>} : memref<800xf32, #tpu.memory_space<vmem>>, vector<16xf32>,
        %swap3A_250 = vector.shape_cast %swap3A_249 : vector<16xf32> to vector<16xf32>
        %swap3A_251 = vector.shape_cast %add3A_240 : vector<16xf32> to vector<16xf32>
        tpu.vector_store %arg9[%swap3A], %swap3A_251 {strides = array<i32>} : memref<800xf32, #tpu.memory_space<vmem>>, vector<16xf32>,
        %mul3A_252 = arith.constant 32 : i32
        %mul3A_253 = arith.muli %scan3A_54, %mul3A_252 : i32
        %add3A_254 = arith.constant 16 : i32
        %add3A_255 = arith.addi %mul3A_253, %add3A_254 : i32
        %swap3A_256 = arith.index_cast %add3A_255 : i32 to index
        %swap3A_257 = tpu.vector_load %arg9[%swap3A_256] {strides = array<i32>} : memref<800xf32, #tpu.memory_space<vmem>>, vector<16xf32>,
        %swap3A_258 = vector.shape_cast %swap3A_257 : vector<16xf32> to vector<16xf32>
        %swap3A_259 = vector.shape_cast %add3A_246 : vector<16xf32> to vector<16xf32>
        tpu.vector_store %arg9[%swap3A_256], %swap3A_259 {strides = array<i32>} : memref<800xf32, #tpu.memory_space<vmem>>, vector<16xf32>,
      }
      %scan3A_53 = arith.constant 25 : i32
      "tpu.region"() ({
        %run_scoped3A = tpu.sem_alloc : memref<!tpu.dma_semaphore, #tpu.memory_space<semaphore_mem>>
        %dma_start3A_54 = arith.constant 0 : i32
        %dma_start3A_55 = tpu.memref_slice %arg5[%add3A_9, %dma_start3A_54] : memref<2048x800xf32, #tpu.memory_space<hbm>> -> memref<1x800xf32, #tpu.memory_space<hbm>>
        %dma_start3A_56 = tpu.memref_squeeze %dma_start3A_55 : memref<1x800xf32, #tpu.memory_space<hbm>> -> memref<800xf32, #tpu.memory_space<hbm>>
        %dma_start3A_57 = arith.constant 0 : i32
        %dma_start3A_58 = tpu.memref_slice %arg5[%add3A_9, %dma_start3A_57] : memref<2048x800xf32, #tpu.memory_space<hbm>> -> memref<1x800xf32, #tpu.memory_space<hbm>>
        %dma_start3A_59 = tpu.memref_squeeze %dma_start3A_58 : memref<1x800xf32, #tpu.memory_space<hbm>> -> memref<800xf32, #tpu.memory_space<hbm>>
        tpu.enqueue_dma source(%arg9 : memref<800xf32, #tpu.memory_space<vmem>>) target(%dma_start3A_59 : memref<800xf32, #tpu.memory_space<hbm>>) target_semaphore(%run_scoped3A : memref<!tpu.dma_semaphore, #tpu.memory_space<semaphore_mem>>)
        %dma_wait3A_60 = arith.constant 0 : i32
        %dma_wait3A_61 = tpu.memref_slice %arg5[%add3A_9, %dma_wait3A_60] : memref<2048x800xf32, #tpu.memory_space<hbm>> -> memref<1x800xf32, #tpu.memory_space<hbm>>
        %dma_wait3A_62 = tpu.memref_squeeze %dma_wait3A_61 : memref<1x800xf32, #tpu.memory_space<hbm>> -> memref<800xf32, #tpu.memory_space<hbm>>
        %dma_wait3A_63 = arith.constant 0 : i32
        %dma_wait3A_64 = tpu.memref_slice %arg5[%add3A_9, %dma_wait3A_63] : memref<2048x800xf32, #tpu.memory_space<hbm>> -> memref<1x800xf32, #tpu.memory_space<hbm>>
        %dma_wait3A_65 = tpu.memref_squeeze %dma_wait3A_64 : memref<1x800xf32, #tpu.memory_space<hbm>> -> memref<800xf32, #tpu.memory_space<hbm>>
        tpu.wait_dma2 semaphore(%run_scoped3A : memref<!tpu.dma_semaphore, #tpu.memory_space<semaphore_mem>>) src(%arg9 : memref<800xf32, #tpu.memory_space<vmem>>) dst(%dma_wait3A_65 : memref<800xf32, #tpu.memory_space<hbm>>)
        tpu.yield
      }) : () -> ()
    }
    %scan3A_5 = arith.constant 64 : i32
    return
  }
}

module attributes {stable_mosaic.version = 14 : i64} {
  func.func @_proj_body(%arg0: i32, %arg1: memref<512x128xf32, #tpu.memory_space<vmem>>, %arg2: memref<128x128xf32, #tpu.memory_space<vmem>>, %arg3: memref<1x128xf32, #tpu.memory_space<vmem>>, %arg4: memref<128x128xf32, #tpu.memory_space<vmem>>, %arg5: memref<1x128xf32, #tpu.memory_space<vmem>>, %arg6: memref<512x128xf32, #tpu.memory_space<vmem>>, %arg7: memref<512x128xf32, #tpu.memory_space<vmem>>) attributes {dimension_semantics = [#tpu.dimension_semantics<arbitrary>], iteration_bounds = array<i64: 16>, scalar_prefetch = 0 : i64, scratch_operands = 0 : i64, tpu.core_type = #tpu.core_type<tc>, window_params = [{transform_indices = @transform_0, window_bounds = array<i64: 512, 128>}, {pipeline_mode = #tpu.pipeline_mode<synchronous>, transform_indices = @transform_1, window_bounds = array<i64: 128, 128>}, {pipeline_mode = #tpu.pipeline_mode<synchronous>, transform_indices = @transform_2, window_bounds = array<i64: 1, 128>}, {pipeline_mode = #tpu.pipeline_mode<synchronous>, transform_indices = @transform_3, window_bounds = array<i64: 128, 128>}, {pipeline_mode = #tpu.pipeline_mode<synchronous>, transform_indices = @transform_4, window_bounds = array<i64: 1, 128>}, {transform_indices = @transform_5, window_bounds = array<i64: 512, 128>}, {transform_indices = @transform_6, window_bounds = array<i64: 512, 128>}]} {
    %get3A = arith.constant 0 : index
    %get3A_0 = arith.constant 0 : index
    %get3A_1 = vector.load %arg1[%get3A, %get3A_0] : memref<512x128xf32, #tpu.memory_space<vmem>>, vector<512x128xf32>
    %get3A_2 = arith.constant 0 : index
    %get3A_3 = arith.constant 0 : index
    %get3A_4 = vector.load %arg2[%get3A_2, %get3A_3] : memref<128x128xf32, #tpu.memory_space<vmem>>, vector<128x128xf32>
    %dot_general3A = arith.constant dense<0.000000e+00> : vector<512x128xf32>
    %dot_general3A_5 = tpu.matmul %get3A_1, %get3A_4, %dot_general3A {dimension_numbers = #tpu.dot_dimension_numbers<[1], [1], [0], [0], [0, 0, 1, 0], [], []>, transpose_lhs_hint = false} : vector<512x128xf32>, vector<128x128xf32>, vector<512x128xf32> -> vector<512x128xf32>
    %get3A_6 = arith.constant 0 : index
    %get3A_7 = arith.constant 0 : index
    %get3A_8 = vector.load %arg3[%get3A_6, %get3A_7] : memref<1x128xf32, #tpu.memory_space<vmem>>, vector<1x128xf32>
    %add3A = vector.broadcast %get3A_8 : vector<1x128xf32> to vector<512x128xf32>
    %add3A_9 = arith.addf %dot_general3A_5, %add3A : vector<512x128xf32>
    %swap3A = arith.constant 0 : index
    %swap3A_10 = arith.constant 0 : index
    %swap3A_11 = vector.load %arg6[%swap3A, %swap3A_10] : memref<512x128xf32, #tpu.memory_space<vmem>>, vector<512x128xf32>
    tpu.vector_store %arg6[%swap3A, %swap3A_10], %add3A_9 {strides = array<i32>} : memref<512x128xf32, #tpu.memory_space<vmem>>, vector<512x128xf32>,
    %get3A_12 = arith.constant 0 : index
    %get3A_13 = arith.constant 0 : index
    %get3A_14 = vector.load %arg4[%get3A_12, %get3A_13] : memref<128x128xf32, #tpu.memory_space<vmem>>, vector<128x128xf32>
    %dot_general3A_15 = arith.constant dense<0.000000e+00> : vector<512x128xf32>
    %dot_general3A_16 = tpu.matmul %get3A_1, %get3A_14, %dot_general3A_15 {dimension_numbers = #tpu.dot_dimension_numbers<[1], [1], [0], [0], [0, 0, 1, 0], [], []>, transpose_lhs_hint = false} : vector<512x128xf32>, vector<128x128xf32>, vector<512x128xf32> -> vector<512x128xf32>
    %get3A_17 = arith.constant 0 : index
    %get3A_18 = arith.constant 0 : index
    %get3A_19 = vector.load %arg5[%get3A_17, %get3A_18] : memref<1x128xf32, #tpu.memory_space<vmem>>, vector<1x128xf32>
    %add3A_20 = vector.broadcast %get3A_19 : vector<1x128xf32> to vector<512x128xf32>
    %add3A_21 = arith.addf %dot_general3A_16, %add3A_20 : vector<512x128xf32>
    %swap3A_22 = arith.constant 0 : index
    %swap3A_23 = arith.constant 0 : index
    %swap3A_24 = vector.load %arg7[%swap3A_22, %swap3A_23] : memref<512x128xf32, #tpu.memory_space<vmem>>, vector<512x128xf32>
    tpu.vector_store %arg7[%swap3A_22, %swap3A_23], %add3A_21 {strides = array<i32>} : memref<512x128xf32, #tpu.memory_space<vmem>>, vector<512x128xf32>,
    return
  }
  func.func @transform_0(%arg0: i32) -> (i32, i32) {
    %c0_i32 = arith.constant 0 : i32
    %c0_i32_0 = arith.constant 0 : i32
    return %arg0, %c0_i32 : i32, i32
  }
  func.func @transform_1(%arg0: i32) -> (i32, i32) {
    %c0_i32 = arith.constant 0 : i32
    %c0_i32_0 = arith.constant 0 : i32
    %c0_i32_1 = arith.constant 0 : i32
    return %c0_i32, %c0_i32_0 : i32, i32
  }
  func.func @transform_2(%arg0: i32) -> (i32, i32) {
    %c0_i32 = arith.constant 0 : i32
    %c0_i32_0 = arith.constant 0 : i32
    %c0_i32_1 = arith.constant 0 : i32
    return %c0_i32, %c0_i32_0 : i32, i32
  }
  func.func @transform_3(%arg0: i32) -> (i32, i32) {
    %c0_i32 = arith.constant 0 : i32
    %c0_i32_0 = arith.constant 0 : i32
    %c0_i32_1 = arith.constant 0 : i32
    return %c0_i32, %c0_i32_0 : i32, i32
  }
  func.func @transform_4(%arg0: i32) -> (i32, i32) {
    %c0_i32 = arith.constant 0 : i32
    %c0_i32_0 = arith.constant 0 : i32
    %c0_i32_1 = arith.constant 0 : i32
    return %c0_i32, %c0_i32_0 : i32, i32
  }
  func.func @transform_5(%arg0: i32) -> (i32, i32) {
    %c0_i32 = arith.constant 0 : i32
    %c0_i32_0 = arith.constant 0 : i32
    return %arg0, %c0_i32 : i32, i32
  }
  func.func @transform_6(%arg0: i32) -> (i32, i32) {
    %c0_i32 = arith.constant 0 : i32
    %c0_i32_0 = arith.constant 0 : i32
    return %arg0, %c0_i32 : i32, i32
  }
}

module attributes {stable_mosaic.version = 14 : i64} {
  func.func @_search_body(%arg0: i32, %arg1: i32, %arg2: memref<128x128xf32, #tpu.memory_space<vmem>>, %arg3: memref<1x32x128xf32, #tpu.memory_space<vmem>>, %arg4: memref<1x1x32xf32, #tpu.memory_space<vmem>>, %arg5: memref<1x8192x32xf32, #tpu.memory_space<vmem>>, %arg6: memref<10x256xf32, #tpu.memory_space<vmem>>, %arg7: memref<1x256xf32, #tpu.memory_space<vmem>>, %arg8: memref<10x160xf32, #tpu.memory_space<vmem>>, %arg9: memref<128x256xi32, #tpu.memory_space<vmem>>, %arg10: memref<128x160xf32, #tpu.memory_space<vmem>>) attributes {dimension_semantics = [#tpu.dimension_semantics<arbitrary>, #tpu.dimension_semantics<arbitrary>], iteration_bounds = array<i64: 4, 4>, scalar_prefetch = 0 : i64, scratch_operands = 0 : i64, tpu.core_type = #tpu.core_type<tc>, window_params = [{transform_indices = @transform_0, window_bounds = array<i64: 128, 128>}, {transform_indices = @transform_1, window_bounds = array<i64: 1, 32, 128>}, {transform_indices = @transform_2, window_bounds = array<i64: 1, 1, 32>}, {transform_indices = @transform_3, window_bounds = array<i64: 1, 8192, 32>}, {pipeline_mode = #tpu.pipeline_mode<synchronous>, transform_indices = @transform_4, window_bounds = array<i64: 10, 256>}, {pipeline_mode = #tpu.pipeline_mode<synchronous>, transform_indices = @transform_5, window_bounds = array<i64: 1, 256>}, {pipeline_mode = #tpu.pipeline_mode<synchronous>, transform_indices = @transform_6, window_bounds = array<i64: 10, 160>}, {transform_indices = @transform_7, window_bounds = array<i64: 128, 256>}, {transform_indices = @transform_8, window_bounds = array<i64: 128, 160>}]} {
    %get3A = arith.constant 0 : index
    %get3A_0 = arith.constant 0 : index
    %get3A_1 = vector.load %arg2[%get3A, %get3A_0] : memref<128x128xf32, #tpu.memory_space<vmem>>, vector<128x128xf32>
    %get3A_2 = arith.constant 0 : index
    %get3A_3 = arith.constant 0 : index
    %get3A_4 = arith.constant 0 : index
    %get3A_5 = vector.load %arg3[%get3A_2, %get3A_3, %get3A_4] : memref<1x32x128xf32, #tpu.memory_space<vmem>>, vector<1x32x128xf32>
    %get3A_6 = vector.shape_cast %get3A_5 : vector<1x32x128xf32> to vector<32x128xf32>
    %dot_general3A = arith.constant dense<0.000000e+00> : vector<128x32xf32>
    %dot_general3A_7 = tpu.matmul %get3A_1, %get3A_6, %dot_general3A {dimension_numbers = #tpu.dot_dimension_numbers<[1], [1], [0], [0], [0, 0, 1, 0], [], []>, transpose_lhs_hint = false} : vector<128x128xf32>, vector<32x128xf32>, vector<128x32xf32> -> vector<128x32xf32>
    %get3A_8 = arith.constant 0 : index
    %get3A_9 = arith.constant 0 : index
    %get3A_10 = arith.constant 0 : index
    %get3A_11 = vector.load %arg4[%get3A_8, %get3A_9, %get3A_10] : memref<1x1x32xf32, #tpu.memory_space<vmem>>, vector<1x1x32xf32>
    %get3A_12 = vector.shape_cast %get3A_11 : vector<1x1x32xf32> to vector<1x32xf32>
    %add3A = vector.broadcast %get3A_12 : vector<1x32xf32> to vector<128x32xf32>
    %add3A_13 = arith.addf %dot_general3A_7, %add3A : vector<128x32xf32>
    %get3A_14 = arith.constant 0 : index
    %get3A_15 = arith.constant 0 : index
    %get3A_16 = arith.constant 0 : index
    %get3A_17 = vector.load %arg5[%get3A_14, %get3A_15, %get3A_16] : memref<1x8192x32xf32, #tpu.memory_space<vmem>>, vector<1x8192x32xf32>
    %get3A_18 = vector.shape_cast %get3A_17 : vector<1x8192x32xf32> to vector<8192x32xf32>
    %mul3A = arith.mulf %get3A_18, %get3A_18 : vector<8192x32xf32>
    %reduce_sum3A = arith.constant dense<0.000000e+00> : vector<8192xf32>
    %reduce_sum3A_19 = vector.multi_reduction <add>, %mul3A, %reduce_sum3A [1] : vector<8192x32xf32> to vector<8192xf32>
    %mul3A_20 = arith.mulf %add3A_13, %add3A_13 : vector<128x32xf32>
    %reduce_sum3A_21 = arith.constant dense<0.000000e+00> : vector<128xf32>
    %reduce_sum3A_22 = vector.multi_reduction <add>, %mul3A_20, %reduce_sum3A_21 [1] : vector<128x32xf32> to vector<128xf32>
    %dot_general3A_23 = arith.constant dense<0.000000e+00> : vector<128x8192xf32>
    %dot_general3A_24 = tpu.matmul %add3A_13, %get3A_18, %dot_general3A_23 {dimension_numbers = #tpu.dot_dimension_numbers<[1], [1], [0], [0], [0, 0, 1, 0], [], []>, transpose_lhs_hint = false} : vector<128x32xf32>, vector<8192x32xf32>, vector<128x8192xf32> -> vector<128x8192xf32>
    %mul3A_25 = arith.constant 2.000000e+00 : f32
    %mul3A_26 = vector.broadcast %mul3A_25 : f32 to vector<128x8192xf32>
    %mul3A_27 = arith.mulf %mul3A_26, %dot_general3A_24 : vector<128x8192xf32>
    %broadcast_in_dim3A = vector.shape_cast %reduce_sum3A_22 : vector<128xf32> to vector<128x1xf32>
    %sub3A = vector.broadcast %broadcast_in_dim3A : vector<128x1xf32> to vector<128x8192xf32>
    %sub3A_28 = arith.subf %mul3A_27, %sub3A : vector<128x8192xf32>
    %broadcast_in_dim3A_29 = vector.shape_cast %reduce_sum3A_19 : vector<8192xf32> to vector<1x8192xf32>
    %sub3A_30 = vector.broadcast %broadcast_in_dim3A_29 : vector<1x8192xf32> to vector<128x8192xf32>
    %sub3A_31 = arith.subf %sub3A_28, %sub3A_30 : vector<128x8192xf32>
    %iota3A = tpu.iota {dimensions = array<i32: 1>} : vector<128x8192xi32>
    %reduce_max3A = arith.constant dense<0xFF800000> : vector<128xf32>
    %reduce_max3A_32 = vector.multi_reduction <maximumf>, %sub3A_31, %reduce_max3A [1] : vector<128x8192xf32> to vector<128xf32>
    %broadcast_in_dim3A_33 = vector.shape_cast %reduce_max3A_32 : vector<128xf32> to vector<128x1xf32>
    %argmax3A = tpu.reduce_index %sub3A_31 {axis = 1 : i32, kind = #tpu.reduction_kind<arg_max>} : vector<128x8192xf32> -> vector<128xi32>
    %broadcast_in_dim3A_34 = vector.shape_cast %argmax3A : vector<128xi32> to vector<128x1xi32>
    %eq3A = vector.broadcast %broadcast_in_dim3A_34 : vector<128x1xi32> to vector<128x8192xi32>
    %eq3A_35 = arith.cmpi eq, %iota3A, %eq3A : vector<128x8192xi32>
    %jit3A = arith.constant 0xFF800000 : f32
    %broadcast_in_dim3A_36 = vector.broadcast %jit3A : f32 to vector<128x8192xf32>
    %select_n3A = arith.select %eq3A_35, %broadcast_in_dim3A_36, %sub3A_31 : vector<128x8192xi1>, vector<128x8192xf32>
    %reduce_max3A_37 = arith.constant dense<0xFF800000> : vector<128xf32>
    %reduce_max3A_38 = vector.multi_reduction <maximumf>, %select_n3A, %reduce_max3A_37 [1] : vector<128x8192xf32> to vector<128xf32>
    %broadcast_in_dim3A_39 = vector.shape_cast %reduce_max3A_38 : vector<128xf32> to vector<128x1xf32>
    %argmax3A_40 = tpu.reduce_index %select_n3A {axis = 1 : i32, kind = #tpu.reduction_kind<arg_max>} : vector<128x8192xf32> -> vector<128xi32>
    %broadcast_in_dim3A_41 = vector.shape_cast %argmax3A_40 : vector<128xi32> to vector<128x1xi32>
    %eq3A_42 = vector.broadcast %broadcast_in_dim3A_41 : vector<128x1xi32> to vector<128x8192xi32>
    %eq3A_43 = arith.cmpi eq, %iota3A, %eq3A_42 : vector<128x8192xi32>
    %jit3A_44 = arith.constant 0xFF800000 : f32
    %broadcast_in_dim3A_45 = vector.broadcast %jit3A_44 : f32 to vector<128x8192xf32>
    %select_n3A_46 = arith.select %eq3A_43, %broadcast_in_dim3A_45, %select_n3A : vector<128x8192xi1>, vector<128x8192xf32>
    %reduce_max3A_47 = arith.constant dense<0xFF800000> : vector<128xf32>
    %reduce_max3A_48 = vector.multi_reduction <maximumf>, %select_n3A_46, %reduce_max3A_47 [1] : vector<128x8192xf32> to vector<128xf32>
    %broadcast_in_dim3A_49 = vector.shape_cast %reduce_max3A_48 : vector<128xf32> to vector<128x1xf32>
    %argmax3A_50 = tpu.reduce_index %select_n3A_46 {axis = 1 : i32, kind = #tpu.reduction_kind<arg_max>} : vector<128x8192xf32> -> vector<128xi32>
    %broadcast_in_dim3A_51 = vector.shape_cast %argmax3A_50 : vector<128xi32> to vector<128x1xi32>
    %eq3A_52 = vector.broadcast %broadcast_in_dim3A_51 : vector<128x1xi32> to vector<128x8192xi32>
    %eq3A_53 = arith.cmpi eq, %iota3A, %eq3A_52 : vector<128x8192xi32>
    %jit3A_54 = arith.constant 0xFF800000 : f32
    %broadcast_in_dim3A_55 = vector.broadcast %jit3A_54 : f32 to vector<128x8192xf32>
    %select_n3A_56 = arith.select %eq3A_53, %broadcast_in_dim3A_55, %select_n3A_46 : vector<128x8192xi1>, vector<128x8192xf32>
    %reduce_max3A_57 = arith.constant dense<0xFF800000> : vector<128xf32>
    %reduce_max3A_58 = vector.multi_reduction <maximumf>, %select_n3A_56, %reduce_max3A_57 [1] : vector<128x8192xf32> to vector<128xf32>
    %broadcast_in_dim3A_59 = vector.shape_cast %reduce_max3A_58 : vector<128xf32> to vector<128x1xf32>
    %argmax3A_60 = tpu.reduce_index %select_n3A_56 {axis = 1 : i32, kind = #tpu.reduction_kind<arg_max>} : vector<128x8192xf32> -> vector<128xi32>
    %broadcast_in_dim3A_61 = vector.shape_cast %argmax3A_60 : vector<128xi32> to vector<128x1xi32>
    %eq3A_62 = vector.broadcast %broadcast_in_dim3A_61 : vector<128x1xi32> to vector<128x8192xi32>
    %eq3A_63 = arith.cmpi eq, %iota3A, %eq3A_62 : vector<128x8192xi32>
    %jit3A_64 = arith.constant 0xFF800000 : f32
    %broadcast_in_dim3A_65 = vector.broadcast %jit3A_64 : f32 to vector<128x8192xf32>
    %select_n3A_66 = arith.select %eq3A_63, %broadcast_in_dim3A_65, %select_n3A_56 : vector<128x8192xi1>, vector<128x8192xf32>
    %reduce_max3A_67 = arith.constant dense<0xFF800000> : vector<128xf32>
    %reduce_max3A_68 = vector.multi_reduction <maximumf>, %select_n3A_66, %reduce_max3A_67 [1] : vector<128x8192xf32> to vector<128xf32>
    %broadcast_in_dim3A_69 = vector.shape_cast %reduce_max3A_68 : vector<128xf32> to vector<128x1xf32>
    %argmax3A_70 = tpu.reduce_index %select_n3A_66 {axis = 1 : i32, kind = #tpu.reduction_kind<arg_max>} : vector<128x8192xf32> -> vector<128xi32>
    %broadcast_in_dim3A_71 = vector.shape_cast %argmax3A_70 : vector<128xi32> to vector<128x1xi32>
    %eq3A_72 = vector.broadcast %broadcast_in_dim3A_71 : vector<128x1xi32> to vector<128x8192xi32>
    %eq3A_73 = arith.cmpi eq, %iota3A, %eq3A_72 : vector<128x8192xi32>
    %jit3A_74 = arith.constant 0xFF800000 : f32
    %broadcast_in_dim3A_75 = vector.broadcast %jit3A_74 : f32 to vector<128x8192xf32>
    %select_n3A_76 = arith.select %eq3A_73, %broadcast_in_dim3A_75, %select_n3A_66 : vector<128x8192xi1>, vector<128x8192xf32>
    %reduce_max3A_77 = arith.constant dense<0xFF800000> : vector<128xf32>
    %reduce_max3A_78 = vector.multi_reduction <maximumf>, %select_n3A_76, %reduce_max3A_77 [1] : vector<128x8192xf32> to vector<128xf32>
    %broadcast_in_dim3A_79 = vector.shape_cast %reduce_max3A_78 : vector<128xf32> to vector<128x1xf32>
    %argmax3A_80 = tpu.reduce_index %select_n3A_76 {axis = 1 : i32, kind = #tpu.reduction_kind<arg_max>} : vector<128x8192xf32> -> vector<128xi32>
    %broadcast_in_dim3A_81 = vector.shape_cast %argmax3A_80 : vector<128xi32> to vector<128x1xi32>
    %eq3A_82 = vector.broadcast %broadcast_in_dim3A_81 : vector<128x1xi32> to vector<128x8192xi32>
    %eq3A_83 = arith.cmpi eq, %iota3A, %eq3A_82 : vector<128x8192xi32>
    %jit3A_84 = arith.constant 0xFF800000 : f32
    %broadcast_in_dim3A_85 = vector.broadcast %jit3A_84 : f32 to vector<128x8192xf32>
    %select_n3A_86 = arith.select %eq3A_83, %broadcast_in_dim3A_85, %select_n3A_76 : vector<128x8192xi1>, vector<128x8192xf32>
    %reduce_max3A_87 = arith.constant dense<0xFF800000> : vector<128xf32>
    %reduce_max3A_88 = vector.multi_reduction <maximumf>, %select_n3A_86, %reduce_max3A_87 [1] : vector<128x8192xf32> to vector<128xf32>
    %broadcast_in_dim3A_89 = vector.shape_cast %reduce_max3A_88 : vector<128xf32> to vector<128x1xf32>
    %argmax3A_90 = tpu.reduce_index %select_n3A_86 {axis = 1 : i32, kind = #tpu.reduction_kind<arg_max>} : vector<128x8192xf32> -> vector<128xi32>
    %broadcast_in_dim3A_91 = vector.shape_cast %argmax3A_90 : vector<128xi32> to vector<128x1xi32>
    %eq3A_92 = vector.broadcast %broadcast_in_dim3A_91 : vector<128x1xi32> to vector<128x8192xi32>
    %eq3A_93 = arith.cmpi eq, %iota3A, %eq3A_92 : vector<128x8192xi32>
    %jit3A_94 = arith.constant 0xFF800000 : f32
    %broadcast_in_dim3A_95 = vector.broadcast %jit3A_94 : f32 to vector<128x8192xf32>
    %select_n3A_96 = arith.select %eq3A_93, %broadcast_in_dim3A_95, %select_n3A_86 : vector<128x8192xi1>, vector<128x8192xf32>
    %reduce_max3A_97 = arith.constant dense<0xFF800000> : vector<128xf32>
    %reduce_max3A_98 = vector.multi_reduction <maximumf>, %select_n3A_96, %reduce_max3A_97 [1] : vector<128x8192xf32> to vector<128xf32>
    %broadcast_in_dim3A_99 = vector.shape_cast %reduce_max3A_98 : vector<128xf32> to vector<128x1xf32>
    %argmax3A_100 = tpu.reduce_index %select_n3A_96 {axis = 1 : i32, kind = #tpu.reduction_kind<arg_max>} : vector<128x8192xf32> -> vector<128xi32>
    %broadcast_in_dim3A_101 = vector.shape_cast %argmax3A_100 : vector<128xi32> to vector<128x1xi32>
    %eq3A_102 = vector.broadcast %broadcast_in_dim3A_101 : vector<128x1xi32> to vector<128x8192xi32>
    %eq3A_103 = arith.cmpi eq, %iota3A, %eq3A_102 : vector<128x8192xi32>
    %jit3A_104 = arith.constant 0xFF800000 : f32
    %broadcast_in_dim3A_105 = vector.broadcast %jit3A_104 : f32 to vector<128x8192xf32>
    %select_n3A_106 = arith.select %eq3A_103, %broadcast_in_dim3A_105, %select_n3A_96 : vector<128x8192xi1>, vector<128x8192xf32>
    %reduce_max3A_107 = arith.constant dense<0xFF800000> : vector<128xf32>
    %reduce_max3A_108 = vector.multi_reduction <maximumf>, %select_n3A_106, %reduce_max3A_107 [1] : vector<128x8192xf32> to vector<128xf32>
    %broadcast_in_dim3A_109 = vector.shape_cast %reduce_max3A_108 : vector<128xf32> to vector<128x1xf32>
    %argmax3A_110 = tpu.reduce_index %select_n3A_106 {axis = 1 : i32, kind = #tpu.reduction_kind<arg_max>} : vector<128x8192xf32> -> vector<128xi32>
    %broadcast_in_dim3A_111 = vector.shape_cast %argmax3A_110 : vector<128xi32> to vector<128x1xi32>
    %eq3A_112 = vector.broadcast %broadcast_in_dim3A_111 : vector<128x1xi32> to vector<128x8192xi32>
    %eq3A_113 = arith.cmpi eq, %iota3A, %eq3A_112 : vector<128x8192xi32>
    %jit3A_114 = arith.constant 0xFF800000 : f32
    %broadcast_in_dim3A_115 = vector.broadcast %jit3A_114 : f32 to vector<128x8192xf32>
    %select_n3A_116 = arith.select %eq3A_113, %broadcast_in_dim3A_115, %select_n3A_106 : vector<128x8192xi1>, vector<128x8192xf32>
    %reduce_max3A_117 = arith.constant dense<0xFF800000> : vector<128xf32>
    %reduce_max3A_118 = vector.multi_reduction <maximumf>, %select_n3A_116, %reduce_max3A_117 [1] : vector<128x8192xf32> to vector<128xf32>
    %broadcast_in_dim3A_119 = vector.shape_cast %reduce_max3A_118 : vector<128xf32> to vector<128x1xf32>
    %argmax3A_120 = tpu.reduce_index %select_n3A_116 {axis = 1 : i32, kind = #tpu.reduction_kind<arg_max>} : vector<128x8192xf32> -> vector<128xi32>
    %broadcast_in_dim3A_121 = vector.shape_cast %argmax3A_120 : vector<128xi32> to vector<128x1xi32>
    %concatenate3A = tpu.concatenate %broadcast_in_dim3A_33, %broadcast_in_dim3A_39, %broadcast_in_dim3A_49, %broadcast_in_dim3A_59, %broadcast_in_dim3A_69, %broadcast_in_dim3A_79, %broadcast_in_dim3A_89, %broadcast_in_dim3A_99, %broadcast_in_dim3A_109, %broadcast_in_dim3A_119 in 1 : vector<128x1xf32>, vector<128x1xf32>, vector<128x1xf32>, vector<128x1xf32>, vector<128x1xf32>, vector<128x1xf32>, vector<128x1xf32>, vector<128x1xf32>, vector<128x1xf32>, vector<128x1xf32> -> vector<128x10xf32>
    %concatenate3A_122 = tpu.concatenate %broadcast_in_dim3A_34, %broadcast_in_dim3A_41, %broadcast_in_dim3A_51, %broadcast_in_dim3A_61, %broadcast_in_dim3A_71, %broadcast_in_dim3A_81, %broadcast_in_dim3A_91, %broadcast_in_dim3A_101, %broadcast_in_dim3A_111, %broadcast_in_dim3A_121 in 1 : vector<128x1xi32>, vector<128x1xi32>, vector<128x1xi32>, vector<128x1xi32>, vector<128x1xi32>, vector<128x1xi32>, vector<128x1xi32>, vector<128x1xi32>, vector<128x1xi32>, vector<128x1xi32> -> vector<128x10xi32>
    %slice3A = vector.extract_strided_slice %concatenate3A {offsets = [0, 0], sizes = [128, 1], strides = [1, 1]} : vector<128x10xf32> to vector<128x1xf32>
    %sub3A_123 = vector.broadcast %slice3A : vector<128x1xf32> to vector<128x10xf32>
    %sub3A_124 = arith.subf %concatenate3A, %sub3A_123 : vector<128x10xf32>
    %exp3A = math.exp %sub3A_124 : vector<128x10xf32>
    %reduce_sum3A_125 = arith.constant dense<0.000000e+00> : vector<128xf32>
    %reduce_sum3A_126 = vector.multi_reduction <add>, %exp3A, %reduce_sum3A_125 [1] : vector<128x10xf32> to vector<128xf32>
    %broadcast_in_dim3A_127 = vector.shape_cast %reduce_sum3A_126 : vector<128xf32> to vector<128x1xf32>
    %div3A = vector.broadcast %broadcast_in_dim3A_127 : vector<128x1xf32> to vector<128x10xf32>
    %div3A_128 = arith.divf %exp3A, %div3A : vector<128x10xf32>
    %get3A_129 = arith.constant 0 : index
    %get3A_130 = arith.constant 0 : index
    %get3A_131 = vector.load %arg8[%get3A_129, %get3A_130] : memref<10x160xf32, #tpu.memory_space<vmem>>, vector<10x160xf32>
    %dot_general3A_132 = arith.constant dense<0.000000e+00> : vector<128x160xf32>
    %dot_general3A_133 = tpu.matmul %div3A_128, %get3A_131, %dot_general3A_132 {dimension_numbers = #tpu.dot_dimension_numbers<[1], [0], [0], [1], [0, 0, 1, 1], [], []>, precision = #tpu.contract_precision<fp32>, transpose_lhs_hint = false} : vector<128x10xf32>, vector<10x160xf32>, vector<128x160xf32> -> vector<128x160xf32>
    %swap3A = arith.constant 0 : index
    %swap3A_134 = arith.constant 0 : index
    %swap3A_135 = vector.load %arg10[%swap3A, %swap3A_134] : memref<128x160xf32, #tpu.memory_space<vmem>>, vector<128x160xf32>
    tpu.vector_store %arg10[%swap3A, %swap3A_134], %dot_general3A_133 {strides = array<i32>} : memref<128x160xf32, #tpu.memory_space<vmem>>, vector<128x160xf32>,
    %shift_right_arithmetic3A = arith.constant 12 : i32
    %shift_right_arithmetic3A_136 = vector.broadcast %shift_right_arithmetic3A : i32 to vector<128x10xi32>
    %shift_right_arithmetic3A_137 = arith.shrsi %concatenate3A_122, %shift_right_arithmetic3A_136 : vector<128x10xi32>
    %and3A = arith.constant 4095 : i32
    %and3A_138 = vector.broadcast %and3A : i32 to vector<128x10xi32>
    %and3A_139 = arith.andi %concatenate3A_122, %and3A_138 : vector<128x10xi32>
    %shift_right_arithmetic3A_140 = arith.constant 6 : i32
    %shift_right_arithmetic3A_141 = vector.broadcast %shift_right_arithmetic3A_140 : i32 to vector<128x10xi32>
    %shift_right_arithmetic3A_142 = arith.shrsi %and3A_139, %shift_right_arithmetic3A_141 : vector<128x10xi32>
    %and3A_143 = arith.constant 63 : i32
    %and3A_144 = vector.broadcast %and3A_143 : i32 to vector<128x10xi32>
    %and3A_145 = arith.andi %and3A_139, %and3A_144 : vector<128x10xi32>
    %mul3A_146 = arith.constant 2 : i32
    %mul3A_147 = arith.muli %arg0, %mul3A_146 : i32
    %add3A_148 = vector.broadcast %mul3A_147 : i32 to vector<128x10xi32>
    %add3A_149 = arith.addi %add3A_148, %shift_right_arithmetic3A_137 : vector<128x10xi32>
    %mul3A_150 = arith.constant 68 : i32
    %mul3A_151 = vector.broadcast %mul3A_150 : i32 to vector<128x10xi32>
    %mul3A_152 = arith.muli %add3A_149, %mul3A_151 : vector<128x10xi32>
    %add3A_153 = arith.addi %mul3A_152, %shift_right_arithmetic3A_142 : vector<128x10xi32>
    %mul3A_154 = arith.constant 68 : i32
    %mul3A_155 = vector.broadcast %mul3A_154 : i32 to vector<128x10xi32>
    %mul3A_156 = arith.muli %add3A_153, %mul3A_155 : vector<128x10xi32>
    %add3A_157 = arith.addi %mul3A_156, %and3A_145 : vector<128x10xi32>
    %convert_element_type3A = arith.sitofp %add3A_157 : vector<128x10xi32> to vector<128x10xf32>
    %get3A_158 = arith.constant 0 : index
    %get3A_159 = arith.constant 0 : index
    %get3A_160 = vector.load %arg6[%get3A_158, %get3A_159] : memref<10x256xf32, #tpu.memory_space<vmem>>, vector<10x256xf32>
    %dot_general3A_161 = arith.constant dense<0.000000e+00> : vector<128x256xf32>
    %dot_general3A_162 = tpu.matmul %convert_element_type3A, %get3A_160, %dot_general3A_161 {dimension_numbers = #tpu.dot_dimension_numbers<[1], [0], [0], [1], [0, 0, 1, 1], [], []>, precision = #tpu.contract_precision<fp32>, transpose_lhs_hint = false} : vector<128x10xf32>, vector<10x256xf32>, vector<128x256xf32> -> vector<128x256xf32>
    %get3A_163 = arith.constant 0 : index
    %get3A_164 = arith.constant 0 : index
    %get3A_165 = vector.load %arg7[%get3A_163, %get3A_164] : memref<1x256xf32, #tpu.memory_space<vmem>>, vector<1x256xf32>
    %add3A_166 = vector.broadcast %get3A_165 : vector<1x256xf32> to vector<128x256xf32>
    %add3A_167 = arith.addf %dot_general3A_162, %add3A_166 : vector<128x256xf32>
    %add3A_168 = arith.constant 5.000000e-01 : f32
    %add3A_169 = vector.broadcast %add3A_168 : f32 to vector<128x256xf32>
    %add3A_170 = arith.addf %add3A_167, %add3A_169 : vector<128x256xf32>
    %floor3A = math.floor %add3A_170 : vector<128x256xf32>
    %convert_element_type3A_171 = arith.fptosi %floor3A : vector<128x256xf32> to vector<128x256xi32>
    %swap3A_172 = arith.constant 0 : index
    %swap3A_173 = arith.constant 0 : index
    %swap3A_174 = vector.load %arg9[%swap3A_172, %swap3A_173] : memref<128x256xi32, #tpu.memory_space<vmem>>, vector<128x256xi32>
    tpu.vector_store %arg9[%swap3A_172, %swap3A_173], %convert_element_type3A_171 {strides = array<i32>} : memref<128x256xi32, #tpu.memory_space<vmem>>, vector<128x256xi32>,
    return
  }
  func.func @transform_0(%arg0: i32, %arg1: i32) -> (i32, i32) {
    %c0_i32 = arith.constant 0 : i32
    %c0_i32_0 = arith.constant 0 : i32
    return %arg1, %c0_i32 : i32, i32
  }
  func.func @transform_1(%arg0: i32, %arg1: i32) -> (i32, i32, i32) {
    %c0_i32 = arith.constant 0 : i32
    %c0_i32_0 = arith.constant 0 : i32
    %c0_i32_1 = arith.constant 0 : i32
    return %arg0, %c0_i32, %c0_i32_0 : i32, i32, i32
  }
  func.func @transform_2(%arg0: i32, %arg1: i32) -> (i32, i32, i32) {
    %c0_i32 = arith.constant 0 : i32
    %c0_i32_0 = arith.constant 0 : i32
    %c0_i32_1 = arith.constant 0 : i32
    return %arg0, %c0_i32, %c0_i32_0 : i32, i32, i32
  }
  func.func @transform_3(%arg0: i32, %arg1: i32) -> (i32, i32, i32) {
    %c0_i32 = arith.constant 0 : i32
    %c0_i32_0 = arith.constant 0 : i32
    %c0_i32_1 = arith.constant 0 : i32
    return %arg0, %c0_i32, %c0_i32_0 : i32, i32, i32
  }
  func.func @transform_4(%arg0: i32, %arg1: i32) -> (i32, i32) {
    %c0_i32 = arith.constant 0 : i32
    %c0_i32_0 = arith.constant 0 : i32
    %c0_i32_1 = arith.constant 0 : i32
    return %c0_i32, %c0_i32_0 : i32, i32
  }
  func.func @transform_5(%arg0: i32, %arg1: i32) -> (i32, i32) {
    %c0_i32 = arith.constant 0 : i32
    %c0_i32_0 = arith.constant 0 : i32
    %c0_i32_1 = arith.constant 0 : i32
    return %c0_i32, %c0_i32_0 : i32, i32
  }
  func.func @transform_6(%arg0: i32, %arg1: i32) -> (i32, i32) {
    %c0_i32 = arith.constant 0 : i32
    %c0_i32_0 = arith.constant 0 : i32
    %c0_i32_1 = arith.constant 0 : i32
    return %c0_i32, %c0_i32_0 : i32, i32
  }
  func.func @transform_7(%arg0: i32, %arg1: i32) -> (i32, i32) {
    %mul3A = arith.constant 4 : i32
    %mul3A_0 = arith.muli %arg0, %mul3A : i32
    %add3A = arith.addi %mul3A_0, %arg1 : i32
    %c0_i32 = arith.constant 0 : i32
    %c0_i32_1 = arith.constant 0 : i32
    return %add3A, %c0_i32 : i32, i32
  }
  func.func @transform_8(%arg0: i32, %arg1: i32) -> (i32, i32) {
    %mul3A = arith.constant 4 : i32
    %mul3A_0 = arith.muli %arg0, %mul3A : i32
    %add3A = arith.addi %mul3A_0, %arg1 : i32
    %c0_i32 = arith.constant 0 : i32
    %c0_i32_1 = arith.constant 0 : i32
    return %add3A, %c0_i32 : i32, i32
  }
}

module attributes {stable_mosaic.version = 14 : i64} {
  func.func @_fold_body(%arg0: i32, %arg1: memref<512x800xf32, #tpu.memory_space<vmem>>, %arg2: memref<1x128x32xf32, #tpu.memory_space<vmem>>, %arg3: memref<1x128xf32, #tpu.memory_space<vmem>>, %arg4: memref<8192x1xf32, #tpu.memory_space<vmem>>, %arg5: memref<8192x1xf32, #tpu.memory_space<vmem>>, %arg6: memref<8192x128xf32, #tpu.memory_space<vmem>>) attributes {dimension_semantics = [#tpu.dimension_semantics<arbitrary>], iteration_bounds = array<i64: 4>, scalar_prefetch = 0 : i64, scratch_operands = 0 : i64, tpu.core_type = #tpu.core_type<tc>, window_params = [{transform_indices = @transform_0, window_bounds = array<i64: 512, 800>}, {transform_indices = @transform_1, window_bounds = array<i64: 1, 128, 32>}, {pipeline_mode = #tpu.pipeline_mode<synchronous>, transform_indices = @transform_2, window_bounds = array<i64: 1, 128>}, {pipeline_mode = #tpu.pipeline_mode<synchronous>, transform_indices = @transform_3, window_bounds = array<i64: 8192, 1>}, {pipeline_mode = #tpu.pipeline_mode<synchronous>, transform_indices = @transform_4, window_bounds = array<i64: 8192, 1>}, {pipeline_mode = #tpu.pipeline_mode<synchronous>, transform_indices = @transform_5, window_bounds = array<i64: 8192, 128>}]} {
    %get3A = arith.constant 0 : index
    %get3A_0 = arith.constant 0 : index
    %get3A_1 = vector.load %arg1[%get3A, %get3A_0] : memref<512x800xf32, #tpu.memory_space<vmem>>, vector<512x800xf32>
    %reshape3A = vector.shape_cast %get3A_1 : vector<512x800xf32> to vector<2x16x16x5x5x32xf32>
    %transpose3A = tpu.transpose %reshape3A, [0, 1, 3, 2, 4, 5] : vector<2x16x16x5x5x32xf32> -> vector<2x16x5x16x5x32xf32>
    %slice3A = vector.extract_strided_slice %transpose3A {offsets = [0, 0, 0, 0, 0, 0], sizes = [2, 16, 4, 16, 5, 32], strides = [1, 1, 1, 1, 1, 1]} : vector<2x16x5x16x5x32xf32> to vector<2x16x4x16x5x32xf32>
    %slice3A_2 = vector.extract_strided_slice %transpose3A {offsets = [0, 0, 4, 0, 0, 0], sizes = [2, 15, 1, 16, 5, 32], strides = [1, 1, 1, 1, 1, 1]} : vector<2x16x5x16x5x32xf32> to vector<2x15x1x16x5x32xf32>
    %broadcast_in_dim3A = arith.constant 0.000000e+00 : f32
    %broadcast_in_dim3A_3 = vector.broadcast %broadcast_in_dim3A : f32 to vector<2x1x1x16x5x32xf32>
    %concatenate3A = tpu.concatenate %broadcast_in_dim3A_3, %slice3A_2 in 1 : vector<2x1x1x16x5x32xf32>, vector<2x15x1x16x5x32xf32> -> vector<2x16x1x16x5x32xf32>
    %broadcast_in_dim3A_4 = arith.constant 0.000000e+00 : f32
    %broadcast_in_dim3A_5 = vector.broadcast %broadcast_in_dim3A_4 : f32 to vector<2x16x3x16x5x32xf32>
    %concatenate3A_6 = tpu.concatenate %concatenate3A, %broadcast_in_dim3A_5 in 2 : vector<2x16x1x16x5x32xf32>, vector<2x16x3x16x5x32xf32> -> vector<2x16x4x16x5x32xf32>
    %add3A = arith.addf %slice3A, %concatenate3A_6 : vector<2x16x4x16x5x32xf32>
    %reshape3A_7 = vector.shape_cast %add3A : vector<2x16x4x16x5x32xf32> to vector<2x64x16x5x32xf32>
    %slice3A_8 = vector.extract_strided_slice %transpose3A {offsets = [0, 15, 4, 0, 0, 0], sizes = [2, 1, 1, 16, 5, 32], strides = [1, 1, 1, 1, 1, 1]} : vector<2x16x5x16x5x32xf32> to vector<2x1x1x16x5x32xf32>
    %reshape3A_9 = vector.shape_cast %slice3A_8 : vector<2x1x1x16x5x32xf32> to vector<2x1x16x5x32xf32>
    %slice3A_10 = vector.extract_strided_slice %reshape3A_7 {offsets = [0, 2, 0, 0, 0], sizes = [2, 62, 16, 5, 32], strides = [1, 1, 1, 1, 1]} : vector<2x64x16x5x32xf32> to vector<2x62x16x5x32xf32>
    %broadcast_in_dim3A_11 = arith.constant 0.000000e+00 : f32
    %broadcast_in_dim3A_12 = vector.broadcast %broadcast_in_dim3A_11 : f32 to vector<2x1x16x5x32xf32>
    %concatenate3A_13 = tpu.concatenate %slice3A_10, %reshape3A_9, %broadcast_in_dim3A_12 in 1 : vector<2x62x16x5x32xf32>, vector<2x1x16x5x32xf32>, vector<2x1x16x5x32xf32> -> vector<2x64x16x5x32xf32>
    %slice3A_14 = vector.extract_strided_slice %concatenate3A_13 {offsets = [0, 0, 0, 0, 0], sizes = [2, 64, 16, 4, 32], strides = [1, 1, 1, 1, 1]} : vector<2x64x16x5x32xf32> to vector<2x64x16x4x32xf32>
    %slice3A_15 = vector.extract_strided_slice %concatenate3A_13 {offsets = [0, 0, 0, 4, 0], sizes = [2, 64, 15, 1, 32], strides = [1, 1, 1, 1, 1]} : vector<2x64x16x5x32xf32> to vector<2x64x15x1x32xf32>
    %broadcast_in_dim3A_16 = arith.constant 0.000000e+00 : f32
    %broadcast_in_dim3A_17 = vector.broadcast %broadcast_in_dim3A_16 : f32 to vector<2x64x1x1x32xf32>
    %concatenate3A_18 = tpu.concatenate %broadcast_in_dim3A_17, %slice3A_15 in 2 : vector<2x64x1x1x32xf32>, vector<2x64x15x1x32xf32> -> vector<2x64x16x1x32xf32>
    %broadcast_in_dim3A_19 = arith.constant 0.000000e+00 : f32
    %broadcast_in_dim3A_20 = vector.broadcast %broadcast_in_dim3A_19 : f32 to vector<2x64x16x3x32xf32>
    %concatenate3A_21 = tpu.concatenate %concatenate3A_18, %broadcast_in_dim3A_20 in 3 : vector<2x64x16x1x32xf32>, vector<2x64x16x3x32xf32> -> vector<2x64x16x4x32xf32>
    %add3A_22 = arith.addf %slice3A_14, %concatenate3A_21 : vector<2x64x16x4x32xf32>
    %reshape3A_23 = vector.shape_cast %add3A_22 : vector<2x64x16x4x32xf32> to vector<2x64x64x32xf32>
    %slice3A_24 = vector.extract_strided_slice %concatenate3A_13 {offsets = [0, 0, 15, 4, 0], sizes = [2, 64, 1, 1, 32], strides = [1, 1, 1, 1, 1]} : vector<2x64x16x5x32xf32> to vector<2x64x1x1x32xf32>
    %reshape3A_25 = vector.shape_cast %slice3A_24 : vector<2x64x1x1x32xf32> to vector<2x64x1x32xf32>
    %slice3A_26 = vector.extract_strided_slice %reshape3A_23 {offsets = [0, 0, 2, 0], sizes = [2, 64, 62, 32], strides = [1, 1, 1, 1]} : vector<2x64x64x32xf32> to vector<2x64x62x32xf32>
    %broadcast_in_dim3A_27 = arith.constant 0.000000e+00 : f32
    %broadcast_in_dim3A_28 = vector.broadcast %broadcast_in_dim3A_27 : f32 to vector<2x64x1x32xf32>
    %concatenate3A_29 = tpu.concatenate %slice3A_26, %reshape3A_25, %broadcast_in_dim3A_28 in 2 : vector<2x64x62x32xf32>, vector<2x64x1x32xf32>, vector<2x64x1x32xf32> -> vector<2x64x64x32xf32>
    %reshape3A_30 = vector.shape_cast %concatenate3A_29 : vector<2x64x64x32xf32> to vector<8192x32xf32>
    %get3A_31 = arith.constant 0 : index
    %get3A_32 = arith.constant 0 : index
    %get3A_33 = arith.constant 0 : index
    %get3A_34 = vector.load %arg2[%get3A_31, %get3A_32, %get3A_33] : memref<1x128x32xf32, #tpu.memory_space<vmem>>, vector<1x128x32xf32>
    %get3A_35 = vector.shape_cast %get3A_34 : vector<1x128x32xf32> to vector<128x32xf32>
    %dot_general3A = arith.constant dense<0.000000e+00> : vector<8192x128xf32>
    %dot_general3A_36 = tpu.matmul %reshape3A_30, %get3A_35, %dot_general3A {dimension_numbers = #tpu.dot_dimension_numbers<[1], [1], [0], [0], [0, 0, 1, 0], [], []>, transpose_lhs_hint = false} : vector<8192x32xf32>, vector<128x32xf32>, vector<8192x128xf32> -> vector<8192x128xf32>
    %eq3A = arith.constant 0 : i32
    %eq3A_37 = arith.cmpi eq, %arg0, %eq3A : i32
    %convert_element_type3A = arith.extui %eq3A_37 : i1 to i32
    %cond3A = arith.constant 0 : i32
    %cond3A_38 = arith.cmpi ne, %convert_element_type3A, %cond3A : i32
    scf.if %cond3A_38 {
      %swap3A = arith.constant 0 : index
      %swap3A_48 = arith.constant 0 : index
      %swap3A_49 = vector.load %arg6[%swap3A, %swap3A_48] : memref<8192x128xf32, #tpu.memory_space<vmem>>, vector<8192x128xf32>
      tpu.vector_store %arg6[%swap3A, %swap3A_48], %dot_general3A_36 {strides = array<i32>} : memref<8192x128xf32, #tpu.memory_space<vmem>>, vector<8192x128xf32>,
    } else {
    }
    %ne3A = arith.constant 0 : i32
    %ne3A_39 = arith.cmpi ne, %arg0, %ne3A : i32
    %convert_element_type3A_40 = arith.extui %ne3A_39 : i1 to i32
    %cond3A_41 = arith.constant 0 : i32
    %cond3A_42 = arith.cmpi ne, %convert_element_type3A_40, %cond3A_41 : i32
    scf.if %cond3A_42 {
      %get3A_48 = arith.constant 0 : index
      %get3A_49 = arith.constant 0 : index
      %get3A_50 = vector.load %arg6[%get3A_48, %get3A_49] : memref<8192x128xf32, #tpu.memory_space<vmem>>, vector<8192x128xf32>
      %add3A_51 = arith.addf %get3A_50, %dot_general3A_36 : vector<8192x128xf32>
      %swap3A = arith.constant 0 : index
      %swap3A_52 = arith.constant 0 : index
      %swap3A_53 = vector.load %arg6[%swap3A, %swap3A_52] : memref<8192x128xf32, #tpu.memory_space<vmem>>, vector<8192x128xf32>
      tpu.vector_store %arg6[%swap3A, %swap3A_52], %add3A_51 {strides = array<i32>} : memref<8192x128xf32, #tpu.memory_space<vmem>>, vector<8192x128xf32>,
    } else {
    }
    %eq3A_43 = arith.constant 3 : i32
    %eq3A_44 = arith.cmpi eq, %arg0, %eq3A_43 : i32
    %convert_element_type3A_45 = arith.extui %eq3A_44 : i1 to i32
    %cond3A_46 = arith.constant 0 : i32
    %cond3A_47 = arith.cmpi ne, %convert_element_type3A_45, %cond3A_46 : i32
    scf.if %cond3A_47 {
      %get3A_48 = arith.constant 0 : index
      %get3A_49 = arith.constant 0 : index
      %get3A_50 = vector.load %arg6[%get3A_48, %get3A_49] : memref<8192x128xf32, #tpu.memory_space<vmem>>, vector<8192x128xf32>
      %get3A_51 = arith.constant 0 : index
      %get3A_52 = arith.constant 0 : index
      %get3A_53 = vector.load %arg4[%get3A_51, %get3A_52] : memref<8192x1xf32, #tpu.memory_space<vmem>>, vector<8192x1xf32>
      %mul3A = vector.broadcast %get3A_53 : vector<8192x1xf32> to vector<8192x128xf32>
      %mul3A_54 = arith.mulf %get3A_50, %mul3A : vector<8192x128xf32>
      %get3A_55 = arith.constant 0 : index
      %get3A_56 = arith.constant 0 : index
      %get3A_57 = vector.load %arg3[%get3A_55, %get3A_56] : memref<1x128xf32, #tpu.memory_space<vmem>>, vector<1x128xf32>
      %get3A_58 = arith.constant 0 : index
      %get3A_59 = arith.constant 0 : index
      %get3A_60 = vector.load %arg5[%get3A_58, %get3A_59] : memref<8192x1xf32, #tpu.memory_space<vmem>>, vector<8192x1xf32>
      %mul3A_61 = vector.broadcast %get3A_57 : vector<1x128xf32> to vector<8192x128xf32>
      %mul3A_62 = vector.broadcast %get3A_60 : vector<8192x1xf32> to vector<8192x128xf32>
      %mul3A_63 = arith.mulf %mul3A_61, %mul3A_62 : vector<8192x128xf32>
      %add3A_64 = arith.addf %mul3A_54, %mul3A_63 : vector<8192x128xf32>
      %swap3A = arith.constant 0 : index
      %swap3A_65 = arith.constant 0 : index
      %swap3A_66 = vector.load %arg6[%swap3A, %swap3A_65] : memref<8192x128xf32, #tpu.memory_space<vmem>>, vector<8192x128xf32>
      tpu.vector_store %arg6[%swap3A, %swap3A_65], %add3A_64 {strides = array<i32>} : memref<8192x128xf32, #tpu.memory_space<vmem>>, vector<8192x128xf32>,
    } else {
    }
    return
  }
  func.func @transform_0(%arg0: i32) -> (i32, i32) {
    %c0_i32 = arith.constant 0 : i32
    %c0_i32_0 = arith.constant 0 : i32
    return %arg0, %c0_i32 : i32, i32
  }
  func.func @transform_1(%arg0: i32) -> (i32, i32, i32) {
    %c0_i32 = arith.constant 0 : i32
    %c0_i32_0 = arith.constant 0 : i32
    %c0_i32_1 = arith.constant 0 : i32
    return %arg0, %c0_i32, %c0_i32_0 : i32, i32, i32
  }
  func.func @transform_2(%arg0: i32) -> (i32, i32) {
    %c0_i32 = arith.constant 0 : i32
    %c0_i32_0 = arith.constant 0 : i32
    %c0_i32_1 = arith.constant 0 : i32
    return %c0_i32, %c0_i32_0 : i32, i32
  }
  func.func @transform_3(%arg0: i32) -> (i32, i32) {
    %c0_i32 = arith.constant 0 : i32
    %c0_i32_0 = arith.constant 0 : i32
    %c0_i32_1 = arith.constant 0 : i32
    return %c0_i32, %c0_i32_0 : i32, i32
  }
  func.func @transform_4(%arg0: i32) -> (i32, i32) {
    %c0_i32 = arith.constant 0 : i32
    %c0_i32_0 = arith.constant 0 : i32
    %c0_i32_1 = arith.constant 0 : i32
    return %c0_i32, %c0_i32_0 : i32, i32
  }
  func.func @transform_5(%arg0: i32) -> (i32, i32) {
    %c0_i32 = arith.constant 0 : i32
    %c0_i32_0 = arith.constant 0 : i32
    %c0_i32_1 = arith.constant 0 : i32
    return %c0_i32, %c0_i32_0 : i32, i32
  }
}

</mosaic_0001>

<sc_bundles>
// kernel: kernel.6.cloned.1.call-start
scs
__scs_entry_jumppad:
0x0: {  	(pc) =	sbr.rel $0x88, $3  }
0x1: {  	(tag) =	ssettag $0x0;
	lr =	simm.s32 $0x1  }
0x2: {  	[smem:$0x3F98] =	sst lr;
	_ =	strace $0xD0000000  }
0x3: {  	_ = 	snop  }
0x4: {  	_ = 	snop  }
0x5: {  	_ = 	snop  }
0x6: {  	_ = 	snop  }
0x7: {  	_ = 	snop  }
__scs_overlays_trampoline_lowered:
0x8: {  	[smem:$0x3FA7] =	sst s0  }
0x9: {  	[smem:$0x3FA8] =	sst s1  }
0xa: {  	[smem:$0x3FA9] =	sst s2  }
0xb: {  	[smem:$0x3FAA] =	sst s3  }
0xc: {  	[smem:$0x3FAB] =	sst s4  }
0xd: {  	[smem:$0x3FAC] =	sst s5  }
0xe: {  	[smem:$0x3FAD] =	sst s6  }
0xf: {  	[smem:$0x3FAE] =	sst s7  }
0x10: {  	[smem:$0x3FAF] =	sst s8  }
0x11: {  	[smem:$0x3FB0] =	sst s9;
	s0 =	simm.s32 @!p0 $0x0  }
0x12: {  	s1 =	sld [smem:$0x3F96];
	s0 =	simm.s32 @p0 $0x1  }
0x13: {  	[smem:$0x3FB1] =	sst s0;
	s0 =	simm.s32 @!p1 $0x0  }
0x14: {  	s2 =	sld [smem:$0x3F95];
	s0 =	simm.s32 @p1 $0x1  }
0x15: {  	[smem:$0x3FB2] =	sst s0;
	s0 =	simm.s32 @!p2 $0x0  }
0x16: {  	s3 =	sld [smem:$0x3FDB];
	s0 =	simm.s32 @p2 $0x1  }
0x17: {  	s4 =	simm.s32 $0x1BF5;
	[smem:$0x3FB4] =	sst s0  }
0x18: {  	s0 =	sld [smem:$0x3F97];
	_ =	swait.ge [sflag:s4], $0x0  }
0x19: {  	s7 =	sld [smem:$0x3F98]  }
0x1a: {  	s8 =	sadd.s32 $0xFFFFE003, lr  }
0x1b: {  	s9 =	sadd.s32 $0xFFFFFEF7, lr;
	s5 =	simm.s32 $0xFFFFFFFF;
	p2 =	slt.u32 s8, $0xFFFFF086  }
0x1c: {  	p1 =	slt.u32 s9, $0xF7A;
	s5 =	simm.s32 @!p2 $0x0  }
0x1d: {  	s5 =	simm.s32 @p1 $0x1;
	p0 =	seq.s32 s7, s2  }
0x1e: {  	s7 =	smul.u32 @!p0 $0xF7A, s2;
	p2 =	seq.s32 @!p0 s5, $0x0  }
0x1f: {  	s9 =	smul.u32 $0xF7A, s1;
	s8 =	simm.s32 @!p0 $0x1BF5;
	p2 =	por !p2, p0  }
0x20: {  	[sflag:s8] =	ssyncset.s32 @!p0 $0xFFFFF086;
	s6 =	sadd.s32 @!p0 s3, s7;
	s7 =	simm.s32 @!p0 $0x108  }
0x21: {  	s3 =	sadd.s32 s3, s9;
	s6 =	sadd.s32 @!p0 $0x88, s6;
	s7 =	simm.s32 @p2 $0x1082  }
0x22: {  	[simem:s7], [sflag:s8] =	dma.local @!p0 [hbm:s6], $0xF7A  }
0x23: {  	s9 =	sor.u32 $0xD0000000, s2;
	s6 =	simm.s32 $0x108;
	_ =	swait.ge @!p0 [sflag:s8], $0x0  }
0x24: {  	s3 =	sadd.s32 $0x88, s3;
	s6 =	simm.s32 @!p1 $0x1082;
	[sflag:s4] =	ssyncset.s32 $0xFFFFF086  }
0x25: {  	[simem:s6], [sflag:s4] =	dma.local [hbm:s3], $0xF7A  }
0x26: {  	[smem:$0x3F98] =	sst s1;
	(tag) =	ssettag s2;
	_ =	strace s9  }
0x27: {  	s1 =	sld [smem:$0x3FA8]  }
0x28: {  	s2 =	sld [smem:$0x3FA9]  }
0x29: {  	s4 =	sld [smem:$0x3FAB]  }
0x2a: {  	p0 =	seq.s32 s5, $0x0;
	s5 =	sld [smem:$0x3FAC]  }
0x2b: {  	s6 =	sld [smem:$0x3FAD]  }
0x2c: {  	s7 =	sld [smem:$0x3FAE]  }
0x2d: {  	s3 =	simm.s32 $0x108;
	s8 =	sld [smem:$0x3FAF]  }
0x2e: {  	s3 =	simm.s32 @!p0 $0x1082;
	s9 =	sld [smem:$0x3FB0]  }
0x2f: {  	lr =	sadd.s32 s0, s3;
	s0 =	sld [smem:$0x3FA7]  }
0x30: {  	s3 =	sld [smem:$0x3FAA]  }
0x31: {  	[smem:$0x3FB3] =	sst s10  }
0x32: {  	s10 =	sld [smem:$0x3FB1];
	_ =	sdelay $0x3  }
0x33: {  	p0 =	seq.s32 s10, $0x1;
	s10 =	sld [smem:$0x3FB3];
	_ =	sdelay $0x3  }
0x34: {  	[smem:$0x3FB3] =	sst s10  }
0x35: {  	s10 =	sld [smem:$0x3FB2];
	_ =	sdelay $0x3  }
0x36: {  	p1 =	seq.s32 s10, $0x1;
	s10 =	sld [smem:$0x3FB3];
	_ =	sdelay $0x3  }
0x37: {  	[smem:$0x3FB3] =	sst s10  }
0x38: {  	s10 =	sld [smem:$0x3FB4]  }
0x39: {  	_ = 	snop;
	(pc) =	sbr.ind lr, $3  }
0x3a: {  	_ = 	snop  }
0x3b: {  	_ = 	snop  }
0x3c: {  	p2 =	seq.s32 s10, $0x1;
	s10 =	sld [smem:$0x3FB3]  }
0x3d: {  	_ =	shalt  }
0x3e: {  	_ =	shalt  }
0x3f: {  	_ =	shalt  }
0x40: {  	_ =	shalt  }
0x41: {  	_ =	shalt  }
0x42: {  	_ =	shalt  }
0x43: {  	_ =	shalt  }
0x44: {  	_ =	shalt  }
0x45: {  	_ =	shalt  }
0x46: {  	_ =	shalt  }
0x47: {  	_ =	shalt  }
0x48: {  	_ =	shalt  }
0x49: {  	_ =	shalt  }
0x4a: {  	_ =	shalt  }
0x4b: {  	_ =	shalt  }
0x4c: {  	_ =	shalt  }
0x4d: {  	_ =	shalt  }
0x4e: {  	_ =	shalt  }
0x4f: {  	_ =	shalt  }
0x50: {  	_ =	shalt  }
0x51: {  	_ =	shalt  }
0x52: {  	_ =	shalt  }
0x53: {  	_ =	shalt  }
0x54: {  	_ =	shalt  }
0x55: {  	_ =	shalt  }
0x56: {  	_ =	shalt  }
0x57: {  	_ =	shalt  }
0x58: {  	_ =	shalt  }
0x59: {  	_ =	shalt  }
0x5a: {  	_ =	shalt  }
0x5b: {  	_ =	shalt  }
0x5c: {  	_ =	shalt  }
0x5d: {  	_ =	shalt  }
0x5e: {  	_ =	shalt  }
0x5f: {  	_ =	shalt  }
0x60: {  	_ =	shalt  }
0x61: {  	_ =	shalt  }
0x62: {  	_ =	shalt  }
0x63: {  	_ =	shalt  }
0x64: {  	_ =	shalt  }
0x65: {  	_ =	shalt  }
0x66: {  	_ =	shalt  }
0x67: {  	_ =	shalt  }
0x68: {  	_ =	shalt  }
0x69: {  	_ =	shalt  }
0x6a: {  	_ =	shalt  }
0x6b: {  	_ =	shalt  }
0x6c: {  	_ =	shalt  }
0x6d: {  	_ =	shalt  }
0x6e: {  	_ =	shalt  }
0x6f: {  	_ =	shalt  }
0x70: {  	_ =	shalt  }
0x71: {  	_ =	shalt  }
0x72: {  	_ =	shalt  }
0x73: {  	_ =	shalt  }
0x74: {  	_ =	shalt  }
0x75: {  	_ =	shalt  }
0x76: {  	_ =	shalt  }
0x77: {  	_ =	shalt  }
0x78: {  	_ =	shalt  }
0x79: {  	_ =	shalt  }
0x7a: {  	_ =	shalt  }
0x7b: {  	_ =	shalt  }
0x7c: {  	_ =	shalt  }
0x7d: {  	_ =	shalt  }
0x7e: {  	_ =	shalt  }
0x7f: {  	_ =	shalt  }
0x80: {  	_ =	shalt  }
0x81: {  	_ =	shalt  }
0x82: {  	_ =	shalt  }
0x83: {  	_ =	shalt  }
0x84: {  	_ =	shalt  }
0x85: {  	_ =	shalt  }
0x86: {  	_ =	shalt  }
0x87: {  	_ =	shalt  }
.Lfunc_end0:
.L_simem_size_0:
called_computation_lowered:
.L_overlay_start_0:
0x88: {  	s2 =	sld [smem:$0x3FD9]  }
0x89: {  	s3 =	sld [smem:$0x3FFE];
	_ =	sdelay $0x1  }
0x8a: {  	s1 =	srdreg.scid  }
0x8b: {  	s0 =	sand.u32 $0x1, s1  }
0x8c: {  	s17 =	sshll.u32 s0, $0xA;
	s2 =	sadd.s32 s3, s2  }
0x8d: {  	s2 =	sadd.s32 s2, s17  }
0x8e: {  	[smem:$0x3FBF] =	sst s2  }
0x8f: {  	_ = 	snop  }
0x90: {  	s2 =	sld [smem:$0x3FD0];
	(tm) =	ssettm $0x1  }
0x91: {  	s18 =	sld [smem:$0x3FFB];
	_ =	sdelay $0x3  }
0x92: {  	_ =	strace s18  }
0x93: {  	s3 =	sld [smem:$0x3FFC];
	_ =	sdelay $0x3  }
0x94: {  	_ =	strace s3  }
0x95: {  	s3 =	sld [smem:$0x3FFD];
	_ =	sdelay $0x3  }
0x96: {  	_ =	strace s3  }
0x97: {  	_ =	strace $0x8FFFFFFF  }
0x98: {  	s19 =	sld [smem:$0x3FDB];
	_ =	sdelay $0x1  }
0x99: {  	s4 =	simm.s32 $_scs_section_size  }
0x9a: {  	s5 =	simm.s32 $_size__tile_overlayer_lowered;
	s6 =	simm.s32 $_tile_overlayer_lowered  }
0x9b: {  	s22 =	simm.s32 $0x1BFF;
	s21 =	sshll.u32 s6, $0x1;
	s3 =	sadd.s32 s4, s19  }
0x9c: {  	s7 =	simm.s32 $0x0;
	s20 =	sshll.u32 s5, $0x1;
	s5 =	sadd.s32 s21, s3  }
0x9d: {  	[timem:s7], [sflag:s22] =	dma.local [hbm:s5], s20  }
0x9e: {  	_ =	swait.ge [sflag:s22], s20  }
0x9f: {  	s4 =	ssub.s32 $0x0, s20;
	[sflag:s22] =	ssyncset.done $0x0  }
0xa0: {  	[sflag:s22] =	ssyncadd.s32 s4;
	_ =	sdelay $0x1  }
0xa1: {  	s23 =	simm.s32 $0x1B8B  }
0xa2: {  	_ =	swait.ge [sflag:s23], $0x1  }
0xa3: {  	[sflag:s23] =	ssyncset.done $0x0  }
0xa4: {  	s25 =	simm.s32 $0x1B8E;
	s24 =	sld [smem:$0x3FFE];
	[sflag:s23] =	ssyncadd.s32 $0xFFFFFFFF  }
0xa5: {  	s26 =	simm.s32 $execute0_lowered;
	[smem:$0x3FD2] =	sst s25  }
0xa6: {  	s5 =	sshll.u32 s26, $0x1;
	_ =	strace $0x80000046;
	[dreg:$0x1] =	wrdreg $0xFFFFFFFF  }
0xa7: {  	s28 =	simm.s32 $_size_execute0_lowered;
	s3 =	sadd.s32 s3, s5;
	[dreg:$0x0] =	wrdreg $0x0  }
0xa8: {  	s5 =	sshll.u32 s28, $0x1;
	[dreg:$0x2] =	wrdreg s3  }
0xa9: {  	[dreg:$0x3] =	wrdreg s5  }
0xaa: {  	[dreg:$0x4] =	wrdreg $0xC0  }
0xab: {  	_ =	task [dreg:s7], $0x5FFFF  }
0xac: {  	[dreg:$0x1] =	wrdreg $0xFFFFFFFF  }
0xad: {  	[dreg:$0x0] =	wrdreg $0x60  }
0xae: {  	[dreg:$0x2] =	wrdreg s2  }
0xaf: {  	[dreg:$0x3] =	wrdreg s24  }
0xb0: {  	[dreg:$0x4] =	wrdreg $0x9  }
0xb1: {  	_ =	task.clear_ibuf [dreg:s7], $0x5FFFF;
	_ =	strace $0x90000046  }
0xb2: {  	s29 =	simm.s32 $0x9;
	_ =	strace $0x80000048  }
0xb3: {  	_ =	swait.ge [sflag:s29], $0x1  }
0xb4: {  	[sflag:s29] =	ssyncadd.s32 $0xFFFFFFFF  }
0xb5: {  	_ =	strace $0x90000048  }
0xb6: {  	_ =	sfence  }
0xb7: {  	s30 =	sld [smem:$0x0];
	_ =	sdelay $0x2  }
0xb8: {  	s31 =	sshll.u32 s1, $0xD;
	s1 =	sshrl.u32 s1, $0x2  }
0xb9: {  	s3 =	sand.u32 $0x4000, s31;
	s1 =	sadd.s32 s1, s30  }
0xba: {  	s0 =	sor.u32 s3, s0;
	s1 =	sshll.u32 s1, $0x11  }
0xbb: {  	s0 =	sor.u32 s1, s0  }
0xbc: {  	s0 =	sadd.s32 $0x8F2B, s0  }
0xbd: {  	[sflag:s0] =	ssyncadd.remote.s32 $0x1  }
0xbe: {  	_ =	sfence.sel $0xFFFF  }
0xbf: {  	[dreg:$0x0] =	wrdreg $0xFFFFFFFF;
	(pc) =	sbr.abs _section_cstart, $3  }
0xc0: {  	[dreg:$0x1] =	wrdreg $0xFFFFFFFF  }
0xc1: {  	_ =	task.clear_ibuf [dreg:s7], $0x2FFFF;
	_ =	strace $0x9FFFFFFF  }
0xc2: {  	(tm) =	ssettm $0x7FFFFFFF  }
0xc3: {  	_ =	shalt  }
tec
execute0_lowered:
.L_overlay_start_1:
0x0: {  	(tag) =	ssettag $0x1  }
0x1: {  	s1 =	rddreg [dreg:$0x0]  }
0x2: {  	s6 =	rddreg [dreg:$0x1]  }
0x3: {  	s0 =	rddreg [dreg:$0x2]  }
0x4: {  	s2 =	simm.s32 $0x0;
	s3 =	srdreg.scid;
	s11 =	simm.s32 $0x80  }
0x5: {  	s12 =	simm.s32 $0x900;
	s13 =	simm.s32 $0x4900;
	s14 =	simm.s32 $0x1  }
0x6: {  	s15 =	simm.s32 $0x400;
	s16 =	simm.s32 $0x8900;
	[smem:$0x7FF] =	sst s2  }
0x7: {  	s4 =	sadd.s32 $0x92C00, s6;
	s7 =	sand.u32 $0x1, s3;
	s5 =	sadd.s32 $0x2400, s6  }
0x8: {  	s3 =	stileid.u32;
	s6 =	sadd.s32 $0x112C00, s6;
	s8 =	ssub.s32 $0x2, s7  }
0x9: {  	s10 =	sshll.u32 s3, $0x7;
	s7 =	sshll.u32 s7, $0x6;
	s9 =	sshrl.u32 s8, $0x1  }
0xa: {  	_ =	strace $0x80000047;
	s7 =	sor.u32 s7, s10;
	s8 =	ssub.s32 s8, s9  }
0xb: {  	s10 =	simm.s32 $0x100;
	s9 =	simm.s32 $0x2;
	s8 =	smax.u32 s8, $0x1  }
.LBB2_1:
0xc: {  	s17 =	simm.s32 $0x0  }
.LBB2_2:
0xd: {  	s18 =	sadd.s32 s7, s17  }
0xe: {  	s19 =	sshll.u32 s18, $0x5  }
0xf: {  	s20 =	simm.s32 $0x0;
	s19 =	sadd.s32 s1, s19  }
0x10: {  	[tilespmem:s20], [sflag:$0x2] =	stream.linear.gather [hbm4b:s19+s20], $0x100, $0x38;
	[tilespmem:$0x8C80] =	vst v63  }
0x11: {  	_ =	swait.ge [sflag:s9], $0x100  }
0x12: {  	s30 =	sshll.u32 s18, $0x8;
	[sflag:s9] =	ssyncset.done $0x0  }
0x13: {  	s19 =	sadd.s32 s4, s30;
	[sflag:s9] =	ssyncadd.s32 $0xFFFFFF00  }
0x14: {  	[tilespmem:s10], [sflag:$0x2] =	stream.linear.gather [hbm4b:s19+s20], $0x500, $0x38;
	[tilespmem:$0x8C80] =	vst v63  }
0x15: {  	_ =	swait.ge [sflag:s9], $0x500  }
0x16: {  	[sflag:s9] =	ssyncset.done $0x0  }
0x17: {  	[sflag:s9] =	ssyncadd.s32 $0xFFFFFB00  }
0x18: {  	[tilespmem:s12], [sflag:$0x1] =	stream.indirect.gather [hbm4b:s5+s11], $0x80, s20, s11, $0xb8;
	[tilespmem:$0x8C80] =	vst v63  }
0x19: {  	_ = 	snop  }
0x1a: {  	[tilespmem:s13], [sflag:$0x1] =	stream.indirect.gather [hbm4b:s5+s11], $0x80, s11, s11, $0xb8;
	[tilespmem:$0x8C80] =	vst v63  }
0x1b: {  	_ =	swait.ge [sflag:s14], $0x4000  }
0x1c: {  	[sflag:s14] =	ssyncset.done $0x0  }
0x1d: {  	[sflag:s14] =	ssyncadd.s32 $0xFFFFC000  }
0x1e: {  	_ =	swait.ge [sflag:s14], $0x4000  }
0x1f: {  	[sflag:s14] =	ssyncset.done $0x0  }
0x20: {  	[sflag:s14] =	ssyncadd.s32 $0xFFFFC000  }
0x21: {  	v0 =	vld [tilespmem:$0x580]  }
0x22: {  	v1 =	vld [tilespmem:$0x500]  }
0x23: {  	v2 =	vld [tilespmem:$0x480]  }
0x24: {  	v3 =	vld [tilespmem:$0x400]  }
0x25: {  	v4 =	vld [tilespmem:$0x380]  }
0x26: {  	v5 =	vld [tilespmem:$0x300]  }
0x27: {  	v6 =	vld [tilespmem:$0x280]  }
0x28: {  	v7 =	vld [tilespmem:$0x180]  }
0x29: {  	s31 =	simm.s32 $0x0;
	v8 =	vld [tilespmem:$0x100]  }
0x2a: {  	v9 =	vld [tilespmem:s31+$0x1590]  }
0x2b: {  	v10 =	vld [tilespmem:s31+$0x900]  }
0x2c: {  	v11 =	vld [tilespmem:s31+$0x910]  }
0x2d: {  	v12 =	vld [tilespmem:s31+$0x1580]  }
0x2e: {  	v13 =	vld [tilespmem:$0x200]  }
0x2f: {  	v14 =	vld [tilespmem:s31+$0x2200]  }
0x30: {  	v15 =	vld [tilespmem:s31+$0x2210];
	v10 =	vmul.f32 v10, v8  }
0x31: {  	v46 =	vld [tilespmem:s31+$0x2E80]  }
0x32: {  	v16 =	vld [tilespmem:s31+$0x2E90];
	v8 =	vmul.f32 v11, v8;
	v12 =	vmul.f32 v12, v7;
	v10 =	vadd.f32 $0.0e+00, v10  }
0x33: {  	v47 =	vld [tilespmem:s31+$0x3B00];
	v7 =	vmul.f32 v9, v7  }
0x34: {  	v49 =	vld [tilespmem:s31+$0x3B10];
	v48 =	vmul.f32 v14, v13;
	v8 =	vadd.f32 $0.0e+00, v8;
	v10 =	vadd.f32 v12, v10  }
0x35: {  	v51 =	vld [tilespmem:s31+$0x4780];
	v50 =	vmul.f32 v15, v13  }
0x36: {  	v52 =	vld [tilespmem:s31+$0x4790];
	v11 =	vmul.f32 v46, v6;
	v7 =	vadd.f32 v7, v8;
	v10 =	vadd.f32 v48, v10  }
0x37: {  	v53 =	vld [tilespmem:s31+$0x5400];
	v6 =	vmul.f32 v16, v6  }
0x38: {  	v54 =	vld [tilespmem:s31+$0x5410];
	v9 =	vmul.f32 v47, v5;
	v7 =	vadd.f32 v50, v7;
	v10 =	vadd.f32 v11, v10  }
0x39: {  	v55 =	vld [tilespmem:s31+$0x6080];
	v5 =	vmul.f32 v49, v5  }
0x3a: {  	v57 =	vld [tilespmem:s31+$0x6090];
	v56 =	vmul.f32 v51, v4;
	v6 =	vadd.f32 v6, v7;
	v9 =	vadd.f32 v9, v10  }
0x3b: {  	v58 =	vld [tilespmem:s31+$0x6D00];
	v4 =	vmul.f32 v52, v4  }
0x3c: {  	v60 =	vld [tilespmem:s31+$0x7980];
	v8 =	vmul.f32 v53, v3;
	v5 =	vadd.f32 v5, v6;
	v9 =	vadd.f32 v56, v9  }
0x3d: {  	v59 =	vld [tilespmem:s31+$0x6D10];
	v3 =	vmul.f32 v54, v3  }
0x3e: {  	v7 =	vmul.f32 v55, v2;
	v4 =	vadd.f32 v4, v5;
	v8 =	vadd.f32 v8, v9  }
0x3f: {  	v61 =	vld [tilespmem:s31+$0x7990];
	v2 =	vmul.f32 v57, v2  }
0x40: {  	v6 =	vmul.f32 v58, v1;
	v3 =	vadd.f32 v3, v4;
	v62 =	vadd.f32 v7, v8  }
0x41: {  	v63 =	vmul.f32 v60, v0  }
0x42: {  	v1 =	vmul.f32 v59, v1;
	v2 =	vadd.f32 v2, v3;
	v3 =	vadd.f32 v6, v62;
	_ =	sdelay $0x1  }
0x43: {  	s21 =	simm.s32 $0x200;
	s19 =	simm.s32 $0x8910;
	s20 =	simm.s32 $0x8910;
	v1 =	vadd.f32 v1, v2;
	v2 =	vmul.f32 v61, v0;
	v0 =	vadd.f32 v63, v3  }
.LBB2_3:
0x44: {  	p0 =	sne.s32 s21, $0x3000  }
0x45: {  	v1 =	vadd.f32 v2, v1;
	s20 =	sadd.s32 $0x20, s20;
	s22 =	smov.u32 s21;
	s21 =	sadd.s32 $0x200, s21  }
0x46: {  	[tilespmem:s19+$0xFFFFFFF0] =	vst v0  }
0x47: {  	[tilespmem:s19+$0x0] =	vst v1;
	s19 =	smov.u32 s20  }
0x48: {  	v0 =	vld [tilespmem:$0x580]  }
0x49: {  	v1 =	vld [tilespmem:$0x500]  }
0x4a: {  	v2 =	vld [tilespmem:$0x480]  }
0x4b: {  	v3 =	vld [tilespmem:$0x400]  }
0x4c: {  	v4 =	vld [tilespmem:$0x380]  }
0x4d: {  	v5 =	vld [tilespmem:$0x300]  }
0x4e: {  	v6 =	vld [tilespmem:$0x280]  }
0x4f: {  	v7 =	vld [tilespmem:$0x180]  }
0x50: {  	s22 =	sshra.s32 s22, $0x2;
	v8 =	vld [tilespmem:$0x100]  }
0x51: {  	v9 =	vld [tilespmem:s22+$0x1590]  }
0x52: {  	v10 =	vld [tilespmem:s22+$0x900]  }
0x53: {  	v11 =	vld [tilespmem:s22+$0x910]  }
0x54: {  	v12 =	vld [tilespmem:s22+$0x1580]  }
0x55: {  	v13 =	vld [tilespmem:$0x200]  }
0x56: {  	v14 =	vld [tilespmem:s22+$0x2200]  }
0x57: {  	v10 =	vmul.f32 v10, v8;
	v15 =	vld [tilespmem:s22+$0x2210]  }
0x58: {  	v8 =	vmul.f32 v11, v8;
	v11 =	vld [tilespmem:s22+$0x2E80]  }
0x59: {  	v10 =	vadd.f32 $0.0e+00, v10;
	v12 =	vmul.f32 v12, v7;
	v16 =	vld [tilespmem:s22+$0x2E90]  }
0x5a: {  	v7 =	vmul.f32 v9, v7;
	v8 =	vadd.f32 $0.0e+00, v8;
	v9 =	vld [tilespmem:s22+$0x3B00]  }
0x5b: {  	v10 =	vadd.f32 v12, v10;
	v12 =	vmul.f32 v14, v13;
	v14 =	vld [tilespmem:s22+$0x3B10]  }
0x5c: {  	v7 =	vadd.f32 v7, v8;
	v8 =	vmul.f32 v15, v13;
	v13 =	vld [tilespmem:s22+$0x4780]  }
0x5d: {  	v10 =	vadd.f32 v12, v10;
	v11 =	vmul.f32 v11, v6;
	v12 =	vld [tilespmem:s22+$0x4790]  }
0x5e: {  	v7 =	vadd.f32 v8, v7;
	v6 =	vmul.f32 v16, v6;
	v8 =	vld [tilespmem:s22+$0x5400]  }
0x5f: {  	v10 =	vadd.f32 v11, v10;
	v9 =	vmul.f32 v9, v5;
	v11 =	vld [tilespmem:s22+$0x5410]  }
0x60: {  	v6 =	vadd.f32 v6, v7;
	v5 =	vmul.f32 v14, v5;
	v7 =	vld [tilespmem:s22+$0x6080]  }
0x61: {  	v9 =	vadd.f32 v9, v10;
	v10 =	vmul.f32 v13, v4;
	v13 =	vld [tilespmem:s22+$0x6090]  }
0x62: {  	v5 =	vadd.f32 v5, v6;
	v4 =	vmul.f32 v12, v4;
	v6 =	vld [tilespmem:s22+$0x6D00]  }
0x63: {  	v9 =	vadd.f32 v10, v9;
	v8 =	vmul.f32 v8, v3;
	v10 =	vld [tilespmem:s22+$0x6D10]  }
0x64: {  	v4 =	vadd.f32 v4, v5;
	v3 =	vmul.f32 v11, v3;
	v5 =	vld [tilespmem:s22+$0x7980]  }
0x65: {  	v8 =	vadd.f32 v8, v9;
	v7 =	vmul.f32 v7, v2;
	v9 =	vld [tilespmem:s22+$0x7990]  }
0x66: {  	v3 =	vadd.f32 v3, v4;
	v2 =	vmul.f32 v13, v2  }
.Ltmp0:
0x67: {  	v4 =	vadd.f32 v7, v8;
	v6 =	vmul.f32 v6, v1;
	(pc) =	sbr.rel @p0 .LBB2_3-.Ltmp0, $4  }
0x68: {  	v2 =	vadd.f32 v2, v3;
	v1 =	vmul.f32 v10, v1  }
0x69: {  	v3 =	vadd.f32 v6, v4;
	v4 =	vmul.f32 v5, v0  }
0x6a: {  	v1 =	vadd.f32 v1, v2;
	v2 =	vmul.f32 v9, v0  }
0x6b: {  	v0 =	vadd.f32 v4, v3  }
0x6c: {  	s18 =	sshrl.u32 s18, $0x3  }
0x6d: {  	s20 =	sshll.u32 s17, $0x7;
	s18 =	smul.u32 $0x1C00, s18  }
0x6e: {  	s20 =	sand.u32 $0x380, s20  }
0x6f: {  	v1 =	vadd.f32 v2, v1;
	s17 =	sadd.s32 $0x1, s17;
	s18 =	sor.u32 s20, s18  }
0x70: {  	[tilespmem:s19+$0xFFFFFFF0] =	vst v0;
	p0 =	sne.s32 s17, $0x40;
	s18 =	sshrl.u32 s18, $0x3  }
.Ltmp1:
0x71: {  	[tilespmem:s19+$0x0] =	vst v1;
	s18 =	sadd.s32 s6, s18;
	(pc) =	sbr.rel @p0 .LBB2_2-.Ltmp1, $4  }
0x72: {  	[hbm4b:s18+s11] =	stream.strided.scatter [tilespmem:s16], [sflag:$0x2], $0x380, s15, s11, $0x38;
	[tilespmem:$0x8C80] =	vst v63  }
0x73: {  	_ =	swait.ge [sflag:s9], $0x380  }
0x74: {  	[sflag:s9] =	ssyncset.done $0x0  }
0x75: {  	[sflag:s9] =	ssyncadd.s32 $0xFFFFFC80  }
0x76: {  	s2 =	sadd.s32 $0x1, s2  }
0x77: {  	p0 =	sne.s32 s2, s8  }
.Ltmp2:
0x78: {  	_ = 	snop;
	(pc) =	sbr.rel @p0 .LBB2_1-.Ltmp2, $1  }
0x79: {  	_ =	sdelay $0x3  }
0x7a: {  	_ =	sfence.sel $0x180000  }
0x7b: {  	[bflag:$0x0] =	sbarrier.arrive $0xFFFF  }
0x7c: {  	p0 =	sne.s32 s3, $0x0;
	_ =	strace $0x90000047  }
0x7d: {  	s0 =	sadd.s32 @!p0 $0x100000, s0;
	[bflag:$0x2] =	sbarrier.arrive $0xFFFF  }
0x7e: {  	[sflag:s0] =	ssyncadd.tile.s32 @!p0 $0x1;
	_ =	shalt  }
.Lfunc_end2:
_tile_overlayer_lowered:
.L_overlay_start_2:
0x7f: {  	(tag) =	ssettag $0x2  }
0x80: {  	s0 =	rddreg [dreg:$0x0];
	s2 =	stileid.u32  }
0x81: {  	s1 =	rddreg [dreg:$0x1];
	p0 =	sne.s32 s2, $0x0  }
0x82: {  	s3 =	rddreg [dreg:$0x2];
	[bflag:$0x3] =	sbarrier.arrive $0xFFFF;
	s2 =	simm.s32 @!p0 $0x1C02  }
0x83: {  	[timem:s3], [sflag:s2] =	dma.local @!p0 [hbm:s0], s1  }
0x84: {  	s0 =	simm.s32 @!p0 $0x2  }
0x85: {  	_ =	swait.ge @!p0 [sflag:s0], s1  }
0x86: {  	s1 =	ssub.s32 @!p0 $0x0, s1;
	[sflag:s0] =	ssyncset.done @!p0 $0x0  }
0x87: {  	[sflag:s0] =	ssyncadd.s32 @!p0 s1  }
0x88: {  	[bflag:$0x3] =	sbarrier.arrive $0xFFFF  }
0x89: {  	_ =	shalt  }

</sc_bundles>
